<compile_context>
chip_gen: v7x
topology: tpu7x:2x2x1
jax: 0.10.2.dev20260603
libtpu: 0.0.44.dev20260713+nightly
codegen_flags: <defaults>
</compile_context>

<pallas_src>
import functools

import jax
import jax.numpy as jnp
from jax import lax
from jax.experimental import pallas as pl
from jax.experimental.pallas import tpu as pltpu
from jax.experimental.pallas import tpu_sc as plsc

NC = 2
NS = 16
LANES = 16


@functools.lru_cache(maxsize=None)
def _make_kernel(B, L, V, D):
    NW = NC * NS
    RPW = B // NW
    G = LANES
    NG = RPW // G
    CHUNKS = L // LANES
    TAIL = L - CHUNKS * LANES
    assert B % (NW * G) == 0 and NG % 2 == 0 and L >= LANES
    CSTRIDE = LANES + 1
    TSTRIDE = V * D + 1
    assert CSTRIDE >= V

    mesh = plsc.VectorSubcoreMesh(core_axis_name="c", subcore_axis_name="s")

    @functools.partial(
        pl.kernel,
        out_type=jax.ShapeDtypeStruct((B * D,), jnp.float32),
        mesh=mesh,
        compiler_params=pltpu.CompilerParams(needs_layout_passes=False),
        scratch_types=[
            pltpu.VMEM((G * L,), jnp.int32),
            pltpu.VMEM((G * L,), jnp.int32),
            pltpu.VMEM((LANES * TSTRIDE,), jnp.float32),
            pltpu.VMEM((G * CSTRIDE,), jnp.float32),
            pltpu.VMEM((RPW * D,), jnp.float32),
            pltpu.SemaphoreType.DMA,
            pltpu.SemaphoreType.DMA,
        ],
    )
    def sc_kernel(ids_hbm, tab_hbm, out_hbm,
                  buf_a, buf_b, tab_v, counts, out_v, sem_a, sem_b):
        wid = lax.axis_index("s") * NC + lax.axis_index("c")
        base = wid * (RPW * L)

        pltpu.sync_copy(tab_hbm, tab_v)

        iota = lax.iota(jnp.int32, LANES)
        ones = jnp.full((LANES,), 1.0, jnp.float32)
        zeros = jnp.zeros((LANES,), jnp.float32)
        izeros = jnp.zeros((LANES,), jnp.int32)
        inv_l = jnp.full((LANES,), 1.0 / L, jnp.float32)
        tail_mask = iota >= (LANES - TAIL)
        iota_c = iota * CSTRIDE
        iota_t = iota * TSTRIDE

        def dma(gi, buf, sem):
            return pltpu.make_async_copy(
                ids_hbm.at[pl.ds(base + gi * (G * L), G * L)], buf, sem)

        dma(0, buf_a, sem_a).start()
        dma(1, buf_b, sem_b).start()

        def process(buf, g):
            for k in range(G * CSTRIDE // LANES):
                counts[pl.ds(k * LANES, LANES)] = zeros

            @plsc.parallel_loop(0, G, unroll=2)
            def _(r):
                roff = r * L
                rvec = izeros + r * CSTRIDE
                for ci in range(CHUNKS):
                    chunk = buf[pl.ds(roff + ci * LANES, LANES)]
                    plsc.addupdate_scatter(counts, [chunk + rvec], ones)
                if TAIL:
                    tail = buf[pl.ds(roff + L - LANES, LANES)]
                    plsc.addupdate_scatter(counts, [tail + rvec], ones,
                                           mask=tail_mask)

            def acc_body(v, accs):
                row = plsc.load_gather(counts, [iota_c + v])
                tbase = iota_t + v * D
                return tuple(
                    acc + row * plsc.load_gather(tab_v, [tbase + d])
                    for d, acc in enumerate(accs))

            accs = lax.fori_loop(0, V, acc_body, (zeros,) * D)
            obase = g * (G * D)
            for d in range(D):
                plsc.store_scatter(out_v, [iota * D + (obase + d)],
                                   accs[d] * inv_l)

        def outer(t, _):
            g0 = 2 * t
            dma(g0, buf_a, sem_a).wait()
            process(buf_a, g0)

            @pl.when(g0 + 2 < NG)
            def _():
                dma(g0 + 2, buf_a, sem_a).start()

            dma(g0 + 1, buf_b, sem_b).wait()
            process(buf_b, g0 + 1)

            @pl.when(g0 + 3 < NG)
            def _():
                dma(g0 + 3, buf_b, sem_b).start()

            return 0

        lax.fori_loop(0, NG // 2, outer, 0)
        pltpu.sync_copy(out_v, out_hbm.at[pl.ds(wid * (RPW * D), RPW * D)])

    return sc_kernel


def kernel(lookup_ids, table):
    B, L = lookup_ids.shape
    V, D = table.shape
    tab_rep = jnp.tile(jnp.pad(table.reshape(-1), (0, 1)), LANES)
    out = _make_kernel(B, L, V, D)(lookup_ids.reshape(-1), tab_rep)
    return out.reshape(B, D)

# --- scband reference (transcript-rebuilt; emitter-appended) ---
"""Pipeline reference for scband-my-model-87522843559195 (READ-ONLY COPY).

The authoritative reference and input builder live on the scoring server;
editing this copy changes nothing except your own understanding.
"""

import jax, jax.numpy as jnp
import numpy as np

BATCH = 16384
HIST = 200
VOCAB = 16
EMBED = 4

def setup_inputs(seed: int = 0) -> dict:
    key = jax.random.key(seed)
    k1, k2 = jax.random.split(key)
    # RaggedTensor lookup_ids represented as a fully-dense ragged (all rows full length HIST)
    lookup_ids = jax.random.randint(k1, (BATCH, HIST), 0, VOCAB, dtype=jnp.int32)
    # learned embedding table, matches tf.random.uniform init in __init__
    table = jax.random.uniform(k2, (VOCAB, EMBED), dtype=jnp.float32)
    return {"lookup_ids": lookup_ids, "table": table}

def reference(lookup_ids, table):
    # tf.nn.safe_embedding_lookup_sparse with default combiner='mean':
    # gather embeddings for each id in the row, then mean-combine per row.
    # With a fully-dense ragged tensor (no empty rows), default_id is never used.
    emb = jnp.take(table, lookup_ids, axis=0)  # [B, L, D] gather
    out = jnp.mean(emb, axis=1)                # [B, D] mean combiner per row
    return out

if __name__ == "__main__":
    import jax
    _d = setup_inputs()
    print(jax.jit(kernel)(*tuple(_d.values())))

</pallas_src>

<mosaic_0001>
#map = affine_map<(d0, d1) -> (0)>
module attributes {stable_mosaic.version = 14 : i64} {
  func.func @sc_kernel(%arg0: i32, %arg1: i32, %arg2: memref<3276800xi32, #tpu.memory_space<hbm>>, %arg3: memref<1040xf32, #tpu.memory_space<hbm>>, %arg4: memref<65536xf32, #tpu.memory_space<hbm>>, %arg5: memref<3200xi32, #tpu.memory_space<vmem>>, %arg6: memref<3200xi32, #tpu.memory_space<vmem>>, %arg7: memref<1040xf32, #tpu.memory_space<vmem>>, %arg8: memref<272xf32, #tpu.memory_space<vmem>>, %arg9: memref<2048xf32, #tpu.memory_space<vmem>>, %arg10: memref<!tpu.dma_semaphore, #tpu.memory_space<semaphore_mem>>, %arg11: memref<!tpu.dma_semaphore, #tpu.memory_space<semaphore_mem>>) attributes {dimension_semantics = [#tpu.dimension_semantics<core_parallel>, #tpu.dimension_semantics<subcore_parallel>], iteration_bounds = array<i64: 2, 16>, scalar_prefetch = 0 : i64, scratch_operands = 7 : i64, tpu.core_type = #tpu.core_type<sc_vector_subcore>, window_params = [{transform_indices = #map}, {transform_indices = #map}, {transform_indices = #map}]} {
    %mul3A = arith.constant 2 : i32
    %mul3A_0 = arith.muli %arg1, %mul3A : i32
    %add3A = arith.addi %mul3A_0, %arg0 : i32
    %mul3A_1 = arith.constant 102400 : i32
    %mul3A_2 = arith.muli %add3A, %mul3A_1 : i32
    "tpu.region"() ({
      %run_scoped3A = tpu.sem_alloc : memref<!tpu.dma_semaphore, #tpu.memory_space<semaphore_mem>>
      tpu.enqueue_dma source(%arg3 : memref<1040xf32, #tpu.memory_space<hbm>>) target(%arg7 : memref<1040xf32, #tpu.memory_space<vmem>>) target_semaphore(%run_scoped3A : memref<!tpu.dma_semaphore, #tpu.memory_space<semaphore_mem>>)
      tpu.wait_dma2 semaphore(%run_scoped3A : memref<!tpu.dma_semaphore, #tpu.memory_space<semaphore_mem>>) src(%arg3 : memref<1040xf32, #tpu.memory_space<hbm>>) dst(%arg7 : memref<1040xf32, #tpu.memory_space<vmem>>)
      tpu.yield
    }) : () -> ()
    %iota3A = tpu.iota {dimensions = array<i32: 0>} : vector<16xi32>
    %broadcast_in_dim3A = arith.constant 1.000000e+00 : f32
    %broadcast_in_dim3A_3 = vector.broadcast %broadcast_in_dim3A : f32 to vector<16xf32>
    %broadcast_in_dim3A_4 = arith.constant 0.000000e+00 : f32
    %broadcast_in_dim3A_5 = vector.broadcast %broadcast_in_dim3A_4 : f32 to vector<16xf32>
    %broadcast_in_dim3A_6 = arith.constant 0 : i32
    %broadcast_in_dim3A_7 = vector.broadcast %broadcast_in_dim3A_6 : i32 to vector<16xi32>
    %broadcast_in_dim3A_8 = arith.constant 5.000000e-03 : f32
    %broadcast_in_dim3A_9 = vector.broadcast %broadcast_in_dim3A_8 : f32 to vector<16xf32>
    %ge3A = arith.constant 8 : i32
    %ge3A_10 = vector.broadcast %ge3A : i32 to vector<16xi32>
    %ge3A_11 = arith.cmpi sge, %iota3A, %ge3A_10 : vector<16xi32>
    %mul3A_12 = arith.constant 17 : i32
    %mul3A_13 = vector.broadcast %mul3A_12 : i32 to vector<16xi32>
    %mul3A_14 = arith.muli %iota3A, %mul3A_13 : vector<16xi32>
    %mul3A_15 = arith.constant 65 : i32
    %mul3A_16 = vector.broadcast %mul3A_15 : i32 to vector<16xi32>
    %mul3A_17 = arith.muli %iota3A, %mul3A_16 : vector<16xi32>
    %add3A_18 = arith.constant 0 : i32
    %add3A_19 = arith.addi %mul3A_2, %add3A_18 : i32
    %dma_start3A = tpu.memref_slice %arg2[%add3A_19] : memref<3276800xi32, #tpu.memory_space<hbm>> -> memref<3200xi32, #tpu.memory_space<hbm>>
    %dma_start3A_20 = tpu.memref_slice %arg2[%add3A_19] : memref<3276800xi32, #tpu.memory_space<hbm>> -> memref<3200xi32, #tpu.memory_space<hbm>>
    tpu.enqueue_dma source(%dma_start3A_20 : memref<3200xi32, #tpu.memory_space<hbm>>) target(%arg5 : memref<3200xi32, #tpu.memory_space<vmem>>) target_semaphore(%arg10 : memref<!tpu.dma_semaphore, #tpu.memory_space<semaphore_mem>>)
    %add3A_21 = arith.constant 3200 : i32
    %add3A_22 = arith.addi %mul3A_2, %add3A_21 : i32
    %dma_start3A_23 = tpu.memref_slice %arg2[%add3A_22] : memref<3276800xi32, #tpu.memory_space<hbm>> -> memref<3200xi32, #tpu.memory_space<hbm>>
    %dma_start3A_24 = tpu.memref_slice %arg2[%add3A_22] : memref<3276800xi32, #tpu.memory_space<hbm>> -> memref<3200xi32, #tpu.memory_space<hbm>>
    tpu.enqueue_dma source(%dma_start3A_24 : memref<3200xi32, #tpu.memory_space<hbm>>) target(%arg6 : memref<3200xi32, #tpu.memory_space<vmem>>) target_semaphore(%arg11 : memref<!tpu.dma_semaphore, #tpu.memory_space<semaphore_mem>>)
    %scan3A = arith.constant 0 : i32
    %scan3A_25 = arith.constant 0 : i32
    %scan3A_26 = arith.constant 16 : i32
    %scan3A_27 = arith.addi %scan3A_25, %scan3A_26 : i32
    %scan3A_28 = arith.constant 1 : i32
    %scan3A_29 = scf.for %scan3A_33 = %scan3A_25 to %scan3A_27 step %scan3A_28 iter_args(%scan3A_34 = %scan3A) -> (i32)  : i32 {
      %mul3A_35 = arith.constant 2 : i32
      %mul3A_36 = arith.muli %mul3A_35, %scan3A_33 : i32
      %mul3A_37 = arith.constant 3200 : i32
      %mul3A_38 = arith.muli %mul3A_36, %mul3A_37 : i32
      %add3A_39 = arith.addi %mul3A_2, %mul3A_38 : i32
      %dma_wait3A = tpu.memref_slice %arg2[%add3A_39] : memref<3276800xi32, #tpu.memory_space<hbm>> -> memref<3200xi32, #tpu.memory_space<hbm>>
      %dma_wait3A_40 = tpu.memref_slice %arg2[%add3A_39] : memref<3276800xi32, #tpu.memory_space<hbm>> -> memref<3200xi32, #tpu.memory_space<hbm>>
      tpu.wait_dma2 semaphore(%arg10 : memref<!tpu.dma_semaphore, #tpu.memory_space<semaphore_mem>>) src(%dma_wait3A_40 : memref<3200xi32, #tpu.memory_space<hbm>>) dst(%arg5 : memref<3200xi32, #tpu.memory_space<vmem>>)
      %swap3A = arith.constant 0 : index
      %swap3A_41 = tpu.vector_load %arg8[%swap3A] {strides = array<i32>} : memref<272xf32, #tpu.memory_space<vmem>>, vector<16xf32>,
      tpu.vector_store %arg8[%swap3A], %broadcast_in_dim3A_5 {strides = array<i32>} : memref<272xf32, #tpu.memory_space<vmem>>, vector<16xf32>,
      %swap3A_42 = arith.constant 16 : index
      %swap3A_43 = tpu.vector_load %arg8[%swap3A_42] {strides = array<i32>} : memref<272xf32, #tpu.memory_space<vmem>>, vector<16xf32>,
      tpu.vector_store %arg8[%swap3A_42], %broadcast_in_dim3A_5 {strides = array<i32>} : memref<272xf32, #tpu.memory_space<vmem>>, vector<16xf32>,
      %swap3A_44 = arith.constant 32 : index
      %swap3A_45 = tpu.vector_load %arg8[%swap3A_44] {strides = array<i32>} : memref<272xf32, #tpu.memory_space<vmem>>, vector<16xf32>,
      tpu.vector_store %arg8[%swap3A_44], %broadcast_in_dim3A_5 {strides = array<i32>} : memref<272xf32, #tpu.memory_space<vmem>>, vector<16xf32>,
      %swap3A_46 = arith.constant 48 : index
      %swap3A_47 = tpu.vector_load %arg8[%swap3A_46] {strides = array<i32>} : memref<272xf32, #tpu.memory_space<vmem>>, vector<16xf32>,
      tpu.vector_store %arg8[%swap3A_46], %broadcast_in_dim3A_5 {strides = array<i32>} : memref<272xf32, #tpu.memory_space<vmem>>, vector<16xf32>,
      %swap3A_48 = arith.constant 64 : index
      %swap3A_49 = tpu.vector_load %arg8[%swap3A_48] {strides = array<i32>} : memref<272xf32, #tpu.memory_space<vmem>>, vector<16xf32>,
      tpu.vector_store %arg8[%swap3A_48], %broadcast_in_dim3A_5 {strides = array<i32>} : memref<272xf32, #tpu.memory_space<vmem>>, vector<16xf32>,
      %swap3A_50 = arith.constant 80 : index
      %swap3A_51 = tpu.vector_load %arg8[%swap3A_50] {strides = array<i32>} : memref<272xf32, #tpu.memory_space<vmem>>, vector<16xf32>,
      tpu.vector_store %arg8[%swap3A_50], %broadcast_in_dim3A_5 {strides = array<i32>} : memref<272xf32, #tpu.memory_space<vmem>>, vector<16xf32>,
      %swap3A_52 = arith.constant 96 : index
      %swap3A_53 = tpu.vector_load %arg8[%swap3A_52] {strides = array<i32>} : memref<272xf32, #tpu.memory_space<vmem>>, vector<16xf32>,
      tpu.vector_store %arg8[%swap3A_52], %broadcast_in_dim3A_5 {strides = array<i32>} : memref<272xf32, #tpu.memory_space<vmem>>, vector<16xf32>,
      %swap3A_54 = arith.constant 112 : index
      %swap3A_55 = tpu.vector_load %arg8[%swap3A_54] {strides = array<i32>} : memref<272xf32, #tpu.memory_space<vmem>>, vector<16xf32>,
      tpu.vector_store %arg8[%swap3A_54], %broadcast_in_dim3A_5 {strides = array<i32>} : memref<272xf32, #tpu.memory_space<vmem>>, vector<16xf32>,
      %swap3A_56 = arith.constant 128 : index
      %swap3A_57 = tpu.vector_load %arg8[%swap3A_56] {strides = array<i32>} : memref<272xf32, #tpu.memory_space<vmem>>, vector<16xf32>,
      tpu.vector_store %arg8[%swap3A_56], %broadcast_in_dim3A_5 {strides = array<i32>} : memref<272xf32, #tpu.memory_space<vmem>>, vector<16xf32>,
      %swap3A_58 = arith.constant 144 : index
      %swap3A_59 = tpu.vector_load %arg8[%swap3A_58] {strides = array<i32>} : memref<272xf32, #tpu.memory_space<vmem>>, vector<16xf32>,
      tpu.vector_store %arg8[%swap3A_58], %broadcast_in_dim3A_5 {strides = array<i32>} : memref<272xf32, #tpu.memory_space<vmem>>, vector<16xf32>,
      %swap3A_60 = arith.constant 160 : index
      %swap3A_61 = tpu.vector_load %arg8[%swap3A_60] {strides = array<i32>} : memref<272xf32, #tpu.memory_space<vmem>>, vector<16xf32>,
      tpu.vector_store %arg8[%swap3A_60], %broadcast_in_dim3A_5 {strides = array<i32>} : memref<272xf32, #tpu.memory_space<vmem>>, vector<16xf32>,
      %swap3A_62 = arith.constant 176 : index
      %swap3A_63 = tpu.vector_load %arg8[%swap3A_62] {strides = array<i32>} : memref<272xf32, #tpu.memory_space<vmem>>, vector<16xf32>,
      tpu.vector_store %arg8[%swap3A_62], %broadcast_in_dim3A_5 {strides = array<i32>} : memref<272xf32, #tpu.memory_space<vmem>>, vector<16xf32>,
      %swap3A_64 = arith.constant 192 : index
      %swap3A_65 = tpu.vector_load %arg8[%swap3A_64] {strides = array<i32>} : memref<272xf32, #tpu.memory_space<vmem>>, vector<16xf32>,
      tpu.vector_store %arg8[%swap3A_64], %broadcast_in_dim3A_5 {strides = array<i32>} : memref<272xf32, #tpu.memory_space<vmem>>, vector<16xf32>,
      %swap3A_66 = arith.constant 208 : index
      %swap3A_67 = tpu.vector_load %arg8[%swap3A_66] {strides = array<i32>} : memref<272xf32, #tpu.memory_space<vmem>>, vector<16xf32>,
      tpu.vector_store %arg8[%swap3A_66], %broadcast_in_dim3A_5 {strides = array<i32>} : memref<272xf32, #tpu.memory_space<vmem>>, vector<16xf32>,
      %swap3A_68 = arith.constant 224 : index
      %swap3A_69 = tpu.vector_load %arg8[%swap3A_68] {strides = array<i32>} : memref<272xf32, #tpu.memory_space<vmem>>, vector<16xf32>,
      tpu.vector_store %arg8[%swap3A_68], %broadcast_in_dim3A_5 {strides = array<i32>} : memref<272xf32, #tpu.memory_space<vmem>>, vector<16xf32>,
      %swap3A_70 = arith.constant 240 : index
      %swap3A_71 = tpu.vector_load %arg8[%swap3A_70] {strides = array<i32>} : memref<272xf32, #tpu.memory_space<vmem>>, vector<16xf32>,
      tpu.vector_store %arg8[%swap3A_70], %broadcast_in_dim3A_5 {strides = array<i32>} : memref<272xf32, #tpu.memory_space<vmem>>, vector<16xf32>,
      %swap3A_72 = arith.constant 256 : index
      %swap3A_73 = tpu.vector_load %arg8[%swap3A_72] {strides = array<i32>} : memref<272xf32, #tpu.memory_space<vmem>>, vector<16xf32>,
      tpu.vector_store %arg8[%swap3A_72], %broadcast_in_dim3A_5 {strides = array<i32>} : memref<272xf32, #tpu.memory_space<vmem>>, vector<16xf32>,
      %parallel_loop3A = arith.constant 0 : i32
      %parallel_loop3A_74 = arith.constant 16 : i32
      %parallel_loop3A_75 = arith.constant 1 : i32
      scf.for %parallel_loop3A_214 = %parallel_loop3A to %parallel_loop3A_74 step %parallel_loop3A_75  : i32 {
        %parallel_loop3A_215 = arith.constant 200 : i32
        %parallel_loop3A_216 = arith.muli %parallel_loop3A_214, %parallel_loop3A_215 : i32
        %parallel_loop3A_217 = arith.constant 17 : i32
        %parallel_loop3A_218 = arith.muli %parallel_loop3A_214, %parallel_loop3A_217 : i32
        %parallel_loop3A_219 = vector.broadcast %parallel_loop3A_218 : i32 to vector<16xi32>
        %parallel_loop3A_220 = arith.addi %broadcast_in_dim3A_7, %parallel_loop3A_219 : vector<16xi32>
        %parallel_loop3A_221 = arith.constant 0 : i32
        %parallel_loop3A_222 = arith.addi %parallel_loop3A_216, %parallel_loop3A_221 : i32
        %parallel_loop3A_223 = arith.index_cast %parallel_loop3A_222 : i32 to index
        %parallel_loop3A_224 = tpu.vector_load %arg5[%parallel_loop3A_223] {strides = array<i32>} : memref<3200xi32, #tpu.memory_space<vmem>>, vector<16xi32>,
        %parallel_loop3A_225 = arith.addi %parallel_loop3A_224, %parallel_loop3A_220 : vector<16xi32>
        tpu.vector_store_idx %arg8[%parallel_loop3A_225], %broadcast_in_dim3A_3 {add = true} : memref<272xf32, #tpu.memory_space<vmem>>[vector<16xi32>], vector<16xf32>,
        %parallel_loop3A_226 = arith.constant 16 : i32
        %parallel_loop3A_227 = arith.addi %parallel_loop3A_216, %parallel_loop3A_226 : i32
        %parallel_loop3A_228 = arith.index_cast %parallel_loop3A_227 : i32 to index
        %parallel_loop3A_229 = tpu.vector_load %arg5[%parallel_loop3A_228] {strides = array<i32>} : memref<3200xi32, #tpu.memory_space<vmem>>, vector<16xi32>,
        %parallel_loop3A_230 = arith.addi %parallel_loop3A_229, %parallel_loop3A_220 : vector<16xi32>
        tpu.vector_store_idx %arg8[%parallel_loop3A_230], %broadcast_in_dim3A_3 {add = true} : memref<272xf32, #tpu.memory_space<vmem>>[vector<16xi32>], vector<16xf32>,
        %parallel_loop3A_231 = arith.constant 32 : i32
        %parallel_loop3A_232 = arith.addi %parallel_loop3A_216, %parallel_loop3A_231 : i32
        %parallel_loop3A_233 = arith.index_cast %parallel_loop3A_232 : i32 to index
        %parallel_loop3A_234 = tpu.vector_load %arg5[%parallel_loop3A_233] {strides = array<i32>} : memref<3200xi32, #tpu.memory_space<vmem>>, vector<16xi32>,
        %parallel_loop3A_235 = arith.addi %parallel_loop3A_234, %parallel_loop3A_220 : vector<16xi32>
        tpu.vector_store_idx %arg8[%parallel_loop3A_235], %broadcast_in_dim3A_3 {add = true} : memref<272xf32, #tpu.memory_space<vmem>>[vector<16xi32>], vector<16xf32>,
        %parallel_loop3A_236 = arith.constant 48 : i32
        %parallel_loop3A_237 = arith.addi %parallel_loop3A_216, %parallel_loop3A_236 : i32
        %parallel_loop3A_238 = arith.index_cast %parallel_loop3A_237 : i32 to index
        %parallel_loop3A_239 = tpu.vector_load %arg5[%parallel_loop3A_238] {strides = array<i32>} : memref<3200xi32, #tpu.memory_space<vmem>>, vector<16xi32>,
        %parallel_loop3A_240 = arith.addi %parallel_loop3A_239, %parallel_loop3A_220 : vector<16xi32>
        tpu.vector_store_idx %arg8[%parallel_loop3A_240], %broadcast_in_dim3A_3 {add = true} : memref<272xf32, #tpu.memory_space<vmem>>[vector<16xi32>], vector<16xf32>,
        %parallel_loop3A_241 = arith.constant 64 : i32
        %parallel_loop3A_242 = arith.addi %parallel_loop3A_216, %parallel_loop3A_241 : i32
        %parallel_loop3A_243 = arith.index_cast %parallel_loop3A_242 : i32 to index
        %parallel_loop3A_244 = tpu.vector_load %arg5[%parallel_loop3A_243] {strides = array<i32>} : memref<3200xi32, #tpu.memory_space<vmem>>, vector<16xi32>,
        %parallel_loop3A_245 = arith.addi %parallel_loop3A_244, %parallel_loop3A_220 : vector<16xi32>
        tpu.vector_store_idx %arg8[%parallel_loop3A_245], %broadcast_in_dim3A_3 {add = true} : memref<272xf32, #tpu.memory_space<vmem>>[vector<16xi32>], vector<16xf32>,
        %parallel_loop3A_246 = arith.constant 80 : i32
        %parallel_loop3A_247 = arith.addi %parallel_loop3A_216, %parallel_loop3A_246 : i32
        %parallel_loop3A_248 = arith.index_cast %parallel_loop3A_247 : i32 to index
        %parallel_loop3A_249 = tpu.vector_load %arg5[%parallel_loop3A_248] {strides = array<i32>} : memref<3200xi32, #tpu.memory_space<vmem>>, vector<16xi32>,
        %parallel_loop3A_250 = arith.addi %parallel_loop3A_249, %parallel_loop3A_220 : vector<16xi32>
        tpu.vector_store_idx %arg8[%parallel_loop3A_250], %broadcast_in_dim3A_3 {add = true} : memref<272xf32, #tpu.memory_space<vmem>>[vector<16xi32>], vector<16xf32>,
        %parallel_loop3A_251 = arith.constant 96 : i32
        %parallel_loop3A_252 = arith.addi %parallel_loop3A_216, %parallel_loop3A_251 : i32
        %parallel_loop3A_253 = arith.index_cast %parallel_loop3A_252 : i32 to index
        %parallel_loop3A_254 = tpu.vector_load %arg5[%parallel_loop3A_253] {strides = array<i32>} : memref<3200xi32, #tpu.memory_space<vmem>>, vector<16xi32>,
        %parallel_loop3A_255 = arith.addi %parallel_loop3A_254, %parallel_loop3A_220 : vector<16xi32>
        tpu.vector_store_idx %arg8[%parallel_loop3A_255], %broadcast_in_dim3A_3 {add = true} : memref<272xf32, #tpu.memory_space<vmem>>[vector<16xi32>], vector<16xf32>,
        %parallel_loop3A_256 = arith.constant 112 : i32
        %parallel_loop3A_257 = arith.addi %parallel_loop3A_216, %parallel_loop3A_256 : i32
        %parallel_loop3A_258 = arith.index_cast %parallel_loop3A_257 : i32 to index
        %parallel_loop3A_259 = tpu.vector_load %arg5[%parallel_loop3A_258] {strides = array<i32>} : memref<3200xi32, #tpu.memory_space<vmem>>, vector<16xi32>,
        %parallel_loop3A_260 = arith.addi %parallel_loop3A_259, %parallel_loop3A_220 : vector<16xi32>
        tpu.vector_store_idx %arg8[%parallel_loop3A_260], %broadcast_in_dim3A_3 {add = true} : memref<272xf32, #tpu.memory_space<vmem>>[vector<16xi32>], vector<16xf32>,
        %parallel_loop3A_261 = arith.constant 128 : i32
        %parallel_loop3A_262 = arith.addi %parallel_loop3A_216, %parallel_loop3A_261 : i32
        %parallel_loop3A_263 = arith.index_cast %parallel_loop3A_262 : i32 to index
        %parallel_loop3A_264 = tpu.vector_load %arg5[%parallel_loop3A_263] {strides = array<i32>} : memref<3200xi32, #tpu.memory_space<vmem>>, vector<16xi32>,
        %parallel_loop3A_265 = arith.addi %parallel_loop3A_264, %parallel_loop3A_220 : vector<16xi32>
        tpu.vector_store_idx %arg8[%parallel_loop3A_265], %broadcast_in_dim3A_3 {add = true} : memref<272xf32, #tpu.memory_space<vmem>>[vector<16xi32>], vector<16xf32>,
        %parallel_loop3A_266 = arith.constant 144 : i32
        %parallel_loop3A_267 = arith.addi %parallel_loop3A_216, %parallel_loop3A_266 : i32
        %parallel_loop3A_268 = arith.index_cast %parallel_loop3A_267 : i32 to index
        %parallel_loop3A_269 = tpu.vector_load %arg5[%parallel_loop3A_268] {strides = array<i32>} : memref<3200xi32, #tpu.memory_space<vmem>>, vector<16xi32>,
        %parallel_loop3A_270 = arith.addi %parallel_loop3A_269, %parallel_loop3A_220 : vector<16xi32>
        tpu.vector_store_idx %arg8[%parallel_loop3A_270], %broadcast_in_dim3A_3 {add = true} : memref<272xf32, #tpu.memory_space<vmem>>[vector<16xi32>], vector<16xf32>,
        %parallel_loop3A_271 = arith.constant 160 : i32
        %parallel_loop3A_272 = arith.addi %parallel_loop3A_216, %parallel_loop3A_271 : i32
        %parallel_loop3A_273 = arith.index_cast %parallel_loop3A_272 : i32 to index
        %parallel_loop3A_274 = tpu.vector_load %arg5[%parallel_loop3A_273] {strides = array<i32>} : memref<3200xi32, #tpu.memory_space<vmem>>, vector<16xi32>,
        %parallel_loop3A_275 = arith.addi %parallel_loop3A_274, %parallel_loop3A_220 : vector<16xi32>
        tpu.vector_store_idx %arg8[%parallel_loop3A_275], %broadcast_in_dim3A_3 {add = true} : memref<272xf32, #tpu.memory_space<vmem>>[vector<16xi32>], vector<16xf32>,
        %parallel_loop3A_276 = arith.constant 176 : i32
        %parallel_loop3A_277 = arith.addi %parallel_loop3A_216, %parallel_loop3A_276 : i32
        %parallel_loop3A_278 = arith.index_cast %parallel_loop3A_277 : i32 to index
        %parallel_loop3A_279 = tpu.vector_load %arg5[%parallel_loop3A_278] {strides = array<i32>} : memref<3200xi32, #tpu.memory_space<vmem>>, vector<16xi32>,
        %parallel_loop3A_280 = arith.addi %parallel_loop3A_279, %parallel_loop3A_220 : vector<16xi32>
        tpu.vector_store_idx %arg8[%parallel_loop3A_280], %broadcast_in_dim3A_3 {add = true} : memref<272xf32, #tpu.memory_space<vmem>>[vector<16xi32>], vector<16xf32>,
        %parallel_loop3A_281 = arith.constant 200 : i32
        %parallel_loop3A_282 = arith.addi %parallel_loop3A_216, %parallel_loop3A_281 : i32
        %parallel_loop3A_283 = arith.constant 16 : i32
        %parallel_loop3A_284 = arith.subi %parallel_loop3A_282, %parallel_loop3A_283 : i32
        %parallel_loop3A_285 = arith.index_cast %parallel_loop3A_284 : i32 to index
        %parallel_loop3A_286 = tpu.vector_load %arg5[%parallel_loop3A_285] {strides = array<i32>} : memref<3200xi32, #tpu.memory_space<vmem>>, vector<16xi32>,
        %parallel_loop3A_287 = arith.addi %parallel_loop3A_286, %parallel_loop3A_220 : vector<16xi32>
        tpu.vector_store_idx %arg8[%parallel_loop3A_287], %broadcast_in_dim3A_3 masked %ge3A_11 {add = true} : memref<272xf32, #tpu.memory_space<vmem>>[vector<16xi32>], vector<16xf32>, vector<16xi1>
      } {sc.loop_unroll_factor = 2 : i64, sc.parallel_access}
      %scan3A_76 = arith.constant 0 : i32
      %scan3A_77 = arith.constant 16 : i32
      %scan3A_78 = arith.addi %scan3A_76, %scan3A_77 : i32
      %scan3A_79 = arith.constant 1 : i32
      %scan3A_80:4 = scf.for %scan3A_214 = %scan3A_76 to %scan3A_78 step %scan3A_79 iter_args(%scan3A_215 = %broadcast_in_dim3A_5, %scan3A_216 = %broadcast_in_dim3A_5, %scan3A_217 = %broadcast_in_dim3A_5, %scan3A_218 = %broadcast_in_dim3A_5) -> (vector<16xf32>, vector<16xf32>, vector<16xf32>, vector<16xf32>)  : i32 {
        %add3A_219 = vector.broadcast %scan3A_214 : i32 to vector<16xi32>
        %add3A_220 = arith.addi %mul3A_14, %add3A_219 : vector<16xi32>
        %gather3A = tpu.vector_load_idx %arg8[%add3A_220] : memref<272xf32, #tpu.memory_space<vmem>>[vector<16xi32>], vector<16xf32>,
        %mul3A_221 = arith.constant 4 : i32
        %mul3A_222 = arith.muli %scan3A_214, %mul3A_221 : i32
        %add3A_223 = vector.broadcast %mul3A_222 : i32 to vector<16xi32>
        %add3A_224 = arith.addi %mul3A_17, %add3A_223 : vector<16xi32>
        %add3A_225 = arith.constant 0 : i32
        %add3A_226 = vector.broadcast %add3A_225 : i32 to vector<16xi32>
        %add3A_227 = arith.addi %add3A_224, %add3A_226 : vector<16xi32>
        %gather3A_228 = tpu.vector_load_idx %arg7[%add3A_227] : memref<1040xf32, #tpu.memory_space<vmem>>[vector<16xi32>], vector<16xf32>,
        %mul3A_229 = arith.mulf %gather3A, %gather3A_228 : vector<16xf32>
        %add3A_230 = arith.addf %scan3A_215, %mul3A_229 : vector<16xf32>
        %add3A_231 = arith.constant 1 : i32
        %add3A_232 = vector.broadcast %add3A_231 : i32 to vector<16xi32>
        %add3A_233 = arith.addi %add3A_224, %add3A_232 : vector<16xi32>
        %gather3A_234 = tpu.vector_load_idx %arg7[%add3A_233] : memref<1040xf32, #tpu.memory_space<vmem>>[vector<16xi32>], vector<16xf32>,
        %mul3A_235 = arith.mulf %gather3A, %gather3A_234 : vector<16xf32>
        %add3A_236 = arith.addf %scan3A_216, %mul3A_235 : vector<16xf32>
        %add3A_237 = arith.constant 2 : i32
        %add3A_238 = vector.broadcast %add3A_237 : i32 to vector<16xi32>
        %add3A_239 = arith.addi %add3A_224, %add3A_238 : vector<16xi32>
        %gather3A_240 = tpu.vector_load_idx %arg7[%add3A_239] : memref<1040xf32, #tpu.memory_space<vmem>>[vector<16xi32>], vector<16xf32>,
        %mul3A_241 = arith.mulf %gather3A, %gather3A_240 : vector<16xf32>
        %add3A_242 = arith.addf %scan3A_217, %mul3A_241 : vector<16xf32>
        %add3A_243 = arith.constant 3 : i32
        %add3A_244 = vector.broadcast %add3A_243 : i32 to vector<16xi32>
        %add3A_245 = arith.addi %add3A_224, %add3A_244 : vector<16xi32>
        %gather3A_246 = tpu.vector_load_idx %arg7[%add3A_245] : memref<1040xf32, #tpu.memory_space<vmem>>[vector<16xi32>], vector<16xf32>,
        %mul3A_247 = arith.mulf %gather3A, %gather3A_246 : vector<16xf32>
        %add3A_248 = arith.addf %scan3A_218, %mul3A_247 : vector<16xf32>
        scf.yield %add3A_230, %add3A_236, %add3A_242, %add3A_248 : vector<16xf32>, vector<16xf32>, vector<16xf32>, vector<16xf32>
      }
      %scan3A_81 = arith.constant 16 : i32
      %mul3A_82 = arith.constant 64 : i32
      %mul3A_83 = arith.muli %mul3A_36, %mul3A_82 : i32
      %mul3A_84 = arith.constant 4 : i32
      %mul3A_85 = vector.broadcast %mul3A_84 : i32 to vector<16xi32>
      %mul3A_86 = arith.muli %iota3A, %mul3A_85 : vector<16xi32>
      %add3A_87 = arith.constant 0 : i32
      %add3A_88 = arith.addi %mul3A_83, %add3A_87 : i32
      %add3A_89 = vector.broadcast %add3A_88 : i32 to vector<16xi32>
      %add3A_90 = arith.addi %mul3A_86, %add3A_89 : vector<16xi32>
      %mul3A_91 = arith.mulf %scan3A_80#0, %broadcast_in_dim3A_9 : vector<16xf32>
      tpu.vector_store_idx %arg9[%add3A_90], %mul3A_91 : memref<2048xf32, #tpu.memory_space<vmem>>[vector<16xi32>], vector<16xf32>,
      %mul3A_92 = arith.constant 4 : i32
      %mul3A_93 = vector.broadcast %mul3A_92 : i32 to vector<16xi32>
      %mul3A_94 = arith.muli %iota3A, %mul3A_93 : vector<16xi32>
      %add3A_95 = arith.constant 1 : i32
      %add3A_96 = arith.addi %mul3A_83, %add3A_95 : i32
      %add3A_97 = vector.broadcast %add3A_96 : i32 to vector<16xi32>
      %add3A_98 = arith.addi %mul3A_94, %add3A_97 : vector<16xi32>
      %mul3A_99 = arith.mulf %scan3A_80#1, %broadcast_in_dim3A_9 : vector<16xf32>
      tpu.vector_store_idx %arg9[%add3A_98], %mul3A_99 : memref<2048xf32, #tpu.memory_space<vmem>>[vector<16xi32>], vector<16xf32>,
      %mul3A_100 = arith.constant 4 : i32
      %mul3A_101 = vector.broadcast %mul3A_100 : i32 to vector<16xi32>
      %mul3A_102 = arith.muli %iota3A, %mul3A_101 : vector<16xi32>
      %add3A_103 = arith.constant 2 : i32
      %add3A_104 = arith.addi %mul3A_83, %add3A_103 : i32
      %add3A_105 = vector.broadcast %add3A_104 : i32 to vector<16xi32>
      %add3A_106 = arith.addi %mul3A_102, %add3A_105 : vector<16xi32>
      %mul3A_107 = arith.mulf %scan3A_80#2, %broadcast_in_dim3A_9 : vector<16xf32>
      tpu.vector_store_idx %arg9[%add3A_106], %mul3A_107 : memref<2048xf32, #tpu.memory_space<vmem>>[vector<16xi32>], vector<16xf32>,
      %mul3A_108 = arith.constant 4 : i32
      %mul3A_109 = vector.broadcast %mul3A_108 : i32 to vector<16xi32>
      %mul3A_110 = arith.muli %iota3A, %mul3A_109 : vector<16xi32>
      %add3A_111 = arith.constant 3 : i32
      %add3A_112 = arith.addi %mul3A_83, %add3A_111 : i32
      %add3A_113 = vector.broadcast %add3A_112 : i32 to vector<16xi32>
      %add3A_114 = arith.addi %mul3A_110, %add3A_113 : vector<16xi32>
      %mul3A_115 = arith.mulf %scan3A_80#3, %broadcast_in_dim3A_9 : vector<16xf32>
      tpu.vector_store_idx %arg9[%add3A_114], %mul3A_115 : memref<2048xf32, #tpu.memory_space<vmem>>[vector<16xi32>], vector<16xf32>,
      %add3A_116 = arith.constant 2 : i32
      %add3A_117 = arith.addi %mul3A_36, %add3A_116 : i32
      %lt3A = arith.constant 32 : i32
      %lt3A_118 = arith.cmpi slt, %add3A_117, %lt3A : i32
      %convert_element_type3A = arith.extui %lt3A_118 : i1 to i32
      %cond3A = arith.constant 0 : i32
      %cond3A_119 = arith.cmpi ne, %convert_element_type3A, %cond3A : i32
      scf.if %cond3A_119 {
        %add3A_214 = arith.constant 2 : i32
        %add3A_215 = arith.addi %mul3A_36, %add3A_214 : i32
        %mul3A_216 = arith.constant 3200 : i32
        %mul3A_217 = arith.muli %add3A_215, %mul3A_216 : i32
        %add3A_218 = arith.addi %mul3A_2, %mul3A_217 : i32
        %dma_start3A_219 = tpu.memref_slice %arg2[%add3A_218] : memref<3276800xi32, #tpu.memory_space<hbm>> -> memref<3200xi32, #tpu.memory_space<hbm>>
        %dma_start3A_220 = tpu.memref_slice %arg2[%add3A_218] : memref<3276800xi32, #tpu.memory_space<hbm>> -> memref<3200xi32, #tpu.memory_space<hbm>>
        tpu.enqueue_dma source(%dma_start3A_220 : memref<3200xi32, #tpu.memory_space<hbm>>) target(%arg5 : memref<3200xi32, #tpu.memory_space<vmem>>) target_semaphore(%arg10 : memref<!tpu.dma_semaphore, #tpu.memory_space<semaphore_mem>>)
      } else {
      }
      %add3A_120 = arith.constant 1 : i32
      %add3A_121 = arith.addi %mul3A_36, %add3A_120 : i32
      %mul3A_122 = arith.constant 3200 : i32
      %mul3A_123 = arith.muli %add3A_121, %mul3A_122 : i32
      %add3A_124 = arith.addi %mul3A_2, %mul3A_123 : i32
      %dma_wait3A_125 = tpu.memref_slice %arg2[%add3A_124] : memref<3276800xi32, #tpu.memory_space<hbm>> -> memref<3200xi32, #tpu.memory_space<hbm>>
      %dma_wait3A_126 = tpu.memref_slice %arg2[%add3A_124] : memref<3276800xi32, #tpu.memory_space<hbm>> -> memref<3200xi32, #tpu.memory_space<hbm>>
      tpu.wait_dma2 semaphore(%arg11 : memref<!tpu.dma_semaphore, #tpu.memory_space<semaphore_mem>>) src(%dma_wait3A_126 : memref<3200xi32, #tpu.memory_space<hbm>>) dst(%arg6 : memref<3200xi32, #tpu.memory_space<vmem>>)
      %add3A_127 = arith.constant 1 : i32
      %add3A_128 = arith.addi %mul3A_36, %add3A_127 : i32
      %swap3A_129 = arith.constant 0 : index
      %swap3A_130 = tpu.vector_load %arg8[%swap3A_129] {strides = array<i32>} : memref<272xf32, #tpu.memory_space<vmem>>, vector<16xf32>,
      tpu.vector_store %arg8[%swap3A_129], %broadcast_in_dim3A_5 {strides = array<i32>} : memref<272xf32, #tpu.memory_space<vmem>>, vector<16xf32>,
      %swap3A_131 = arith.constant 16 : index
      %swap3A_132 = tpu.vector_load %arg8[%swap3A_131] {strides = array<i32>} : memref<272xf32, #tpu.memory_space<vmem>>, vector<16xf32>,
      tpu.vector_store %arg8[%swap3A_131], %broadcast_in_dim3A_5 {strides = array<i32>} : memref<272xf32, #tpu.memory_space<vmem>>, vector<16xf32>,
      %swap3A_133 = arith.constant 32 : index
      %swap3A_134 = tpu.vector_load %arg8[%swap3A_133] {strides = array<i32>} : memref<272xf32, #tpu.memory_space<vmem>>, vector<16xf32>,
      tpu.vector_store %arg8[%swap3A_133], %broadcast_in_dim3A_5 {strides = array<i32>} : memref<272xf32, #tpu.memory_space<vmem>>, vector<16xf32>,
      %swap3A_135 = arith.constant 48 : index
      %swap3A_136 = tpu.vector_load %arg8[%swap3A_135] {strides = array<i32>} : memref<272xf32, #tpu.memory_space<vmem>>, vector<16xf32>,
      tpu.vector_store %arg8[%swap3A_135], %broadcast_in_dim3A_5 {strides = array<i32>} : memref<272xf32, #tpu.memory_space<vmem>>, vector<16xf32>,
      %swap3A_137 = arith.constant 64 : index
      %swap3A_138 = tpu.vector_load %arg8[%swap3A_137] {strides = array<i32>} : memref<272xf32, #tpu.memory_space<vmem>>, vector<16xf32>,
      tpu.vector_store %arg8[%swap3A_137], %broadcast_in_dim3A_5 {strides = array<i32>} : memref<272xf32, #tpu.memory_space<vmem>>, vector<16xf32>,
      %swap3A_139 = arith.constant 80 : index
      %swap3A_140 = tpu.vector_load %arg8[%swap3A_139] {strides = array<i32>} : memref<272xf32, #tpu.memory_space<vmem>>, vector<16xf32>,
      tpu.vector_store %arg8[%swap3A_139], %broadcast_in_dim3A_5 {strides = array<i32>} : memref<272xf32, #tpu.memory_space<vmem>>, vector<16xf32>,
      %swap3A_141 = arith.constant 96 : index
      %swap3A_142 = tpu.vector_load %arg8[%swap3A_141] {strides = array<i32>} : memref<272xf32, #tpu.memory_space<vmem>>, vector<16xf32>,
      tpu.vector_store %arg8[%swap3A_141], %broadcast_in_dim3A_5 {strides = array<i32>} : memref<272xf32, #tpu.memory_space<vmem>>, vector<16xf32>,
      %swap3A_143 = arith.constant 112 : index
      %swap3A_144 = tpu.vector_load %arg8[%swap3A_143] {strides = array<i32>} : memref<272xf32, #tpu.memory_space<vmem>>, vector<16xf32>,
      tpu.vector_store %arg8[%swap3A_143], %broadcast_in_dim3A_5 {strides = array<i32>} : memref<272xf32, #tpu.memory_space<vmem>>, vector<16xf32>,
      %swap3A_145 = arith.constant 128 : index
      %swap3A_146 = tpu.vector_load %arg8[%swap3A_145] {strides = array<i32>} : memref<272xf32, #tpu.memory_space<vmem>>, vector<16xf32>,
      tpu.vector_store %arg8[%swap3A_145], %broadcast_in_dim3A_5 {strides = array<i32>} : memref<272xf32, #tpu.memory_space<vmem>>, vector<16xf32>,
      %swap3A_147 = arith.constant 144 : index
      %swap3A_148 = tpu.vector_load %arg8[%swap3A_147] {strides = array<i32>} : memref<272xf32, #tpu.memory_space<vmem>>, vector<16xf32>,
      tpu.vector_store %arg8[%swap3A_147], %broadcast_in_dim3A_5 {strides = array<i32>} : memref<272xf32, #tpu.memory_space<vmem>>, vector<16xf32>,
      %swap3A_149 = arith.constant 160 : index
      %swap3A_150 = tpu.vector_load %arg8[%swap3A_149] {strides = array<i32>} : memref<272xf32, #tpu.memory_space<vmem>>, vector<16xf32>,
      tpu.vector_store %arg8[%swap3A_149], %broadcast_in_dim3A_5 {strides = array<i32>} : memref<272xf32, #tpu.memory_space<vmem>>, vector<16xf32>,
      %swap3A_151 = arith.constant 176 : index
      %swap3A_152 = tpu.vector_load %arg8[%swap3A_151] {strides = array<i32>} : memref<272xf32, #tpu.memory_space<vmem>>, vector<16xf32>,
      tpu.vector_store %arg8[%swap3A_151], %broadcast_in_dim3A_5 {strides = array<i32>} : memref<272xf32, #tpu.memory_space<vmem>>, vector<16xf32>,
      %swap3A_153 = arith.constant 192 : index
      %swap3A_154 = tpu.vector_load %arg8[%swap3A_153] {strides = array<i32>} : memref<272xf32, #tpu.memory_space<vmem>>, vector<16xf32>,
      tpu.vector_store %arg8[%swap3A_153], %broadcast_in_dim3A_5 {strides = array<i32>} : memref<272xf32, #tpu.memory_space<vmem>>, vector<16xf32>,
      %swap3A_155 = arith.constant 208 : index
      %swap3A_156 = tpu.vector_load %arg8[%swap3A_155] {strides = array<i32>} : memref<272xf32, #tpu.memory_space<vmem>>, vector<16xf32>,
      tpu.vector_store %arg8[%swap3A_155], %broadcast_in_dim3A_5 {strides = array<i32>} : memref<272xf32, #tpu.memory_space<vmem>>, vector<16xf32>,
      %swap3A_157 = arith.constant 224 : index
      %swap3A_158 = tpu.vector_load %arg8[%swap3A_157] {strides = array<i32>} : memref<272xf32, #tpu.memory_space<vmem>>, vector<16xf32>,
      tpu.vector_store %arg8[%swap3A_157], %broadcast_in_dim3A_5 {strides = array<i32>} : memref<272xf32, #tpu.memory_space<vmem>>, vector<16xf32>,
      %swap3A_159 = arith.constant 240 : index
      %swap3A_160 = tpu.vector_load %arg8[%swap3A_159] {strides = array<i32>} : memref<272xf32, #tpu.memory_space<vmem>>, vector<16xf32>,
      tpu.vector_store %arg8[%swap3A_159], %broadcast_in_dim3A_5 {strides = array<i32>} : memref<272xf32, #tpu.memory_space<vmem>>, vector<16xf32>,
      %swap3A_161 = arith.constant 256 : index
      %swap3A_162 = tpu.vector_load %arg8[%swap3A_161] {strides = array<i32>} : memref<272xf32, #tpu.memory_space<vmem>>, vector<16xf32>,
      tpu.vector_store %arg8[%swap3A_161], %broadcast_in_dim3A_5 {strides = array<i32>} : memref<272xf32, #tpu.memory_space<vmem>>, vector<16xf32>,
      %parallel_loop3A_163 = arith.constant 0 : i32
      %parallel_loop3A_164 = arith.constant 16 : i32
      %parallel_loop3A_165 = arith.constant 1 : i32
      scf.for %parallel_loop3A_214 = %parallel_loop3A_163 to %parallel_loop3A_164 step %parallel_loop3A_165  : i32 {
        %parallel_loop3A_215 = arith.constant 200 : i32
        %parallel_loop3A_216 = arith.muli %parallel_loop3A_214, %parallel_loop3A_215 : i32
        %parallel_loop3A_217 = arith.constant 17 : i32
        %parallel_loop3A_218 = arith.muli %parallel_loop3A_214, %parallel_loop3A_217 : i32
        %parallel_loop3A_219 = vector.broadcast %parallel_loop3A_218 : i32 to vector<16xi32>
        %parallel_loop3A_220 = arith.addi %broadcast_in_dim3A_7, %parallel_loop3A_219 : vector<16xi32>
        %parallel_loop3A_221 = arith.constant 0 : i32
        %parallel_loop3A_222 = arith.addi %parallel_loop3A_216, %parallel_loop3A_221 : i32
        %parallel_loop3A_223 = arith.index_cast %parallel_loop3A_222 : i32 to index
        %parallel_loop3A_224 = tpu.vector_load %arg6[%parallel_loop3A_223] {strides = array<i32>} : memref<3200xi32, #tpu.memory_space<vmem>>, vector<16xi32>,
        %parallel_loop3A_225 = arith.addi %parallel_loop3A_224, %parallel_loop3A_220 : vector<16xi32>
        tpu.vector_store_idx %arg8[%parallel_loop3A_225], %broadcast_in_dim3A_3 {add = true} : memref<272xf32, #tpu.memory_space<vmem>>[vector<16xi32>], vector<16xf32>,
        %parallel_loop3A_226 = arith.constant 16 : i32
        %parallel_loop3A_227 = arith.addi %parallel_loop3A_216, %parallel_loop3A_226 : i32
        %parallel_loop3A_228 = arith.index_cast %parallel_loop3A_227 : i32 to index
        %parallel_loop3A_229 = tpu.vector_load %arg6[%parallel_loop3A_228] {strides = array<i32>} : memref<3200xi32, #tpu.memory_space<vmem>>, vector<16xi32>,
        %parallel_loop3A_230 = arith.addi %parallel_loop3A_229, %parallel_loop3A_220 : vector<16xi32>
        tpu.vector_store_idx %arg8[%parallel_loop3A_230], %broadcast_in_dim3A_3 {add = true} : memref<272xf32, #tpu.memory_space<vmem>>[vector<16xi32>], vector<16xf32>,
        %parallel_loop3A_231 = arith.constant 32 : i32
        %parallel_loop3A_232 = arith.addi %parallel_loop3A_216, %parallel_loop3A_231 : i32
        %parallel_loop3A_233 = arith.index_cast %parallel_loop3A_232 : i32 to index
        %parallel_loop3A_234 = tpu.vector_load %arg6[%parallel_loop3A_233] {strides = array<i32>} : memref<3200xi32, #tpu.memory_space<vmem>>, vector<16xi32>,
        %parallel_loop3A_235 = arith.addi %parallel_loop3A_234, %parallel_loop3A_220 : vector<16xi32>
        tpu.vector_store_idx %arg8[%parallel_loop3A_235], %broadcast_in_dim3A_3 {add = true} : memref<272xf32, #tpu.memory_space<vmem>>[vector<16xi32>], vector<16xf32>,
        %parallel_loop3A_236 = arith.constant 48 : i32
        %parallel_loop3A_237 = arith.addi %parallel_loop3A_216, %parallel_loop3A_236 : i32
        %parallel_loop3A_238 = arith.index_cast %parallel_loop3A_237 : i32 to index
        %parallel_loop3A_239 = tpu.vector_load %arg6[%parallel_loop3A_238] {strides = array<i32>} : memref<3200xi32, #tpu.memory_space<vmem>>, vector<16xi32>,
        %parallel_loop3A_240 = arith.addi %parallel_loop3A_239, %parallel_loop3A_220 : vector<16xi32>
        tpu.vector_store_idx %arg8[%parallel_loop3A_240], %broadcast_in_dim3A_3 {add = true} : memref<272xf32, #tpu.memory_space<vmem>>[vector<16xi32>], vector<16xf32>,
        %parallel_loop3A_241 = arith.constant 64 : i32
        %parallel_loop3A_242 = arith.addi %parallel_loop3A_216, %parallel_loop3A_241 : i32
        %parallel_loop3A_243 = arith.index_cast %parallel_loop3A_242 : i32 to index
        %parallel_loop3A_244 = tpu.vector_load %arg6[%parallel_loop3A_243] {strides = array<i32>} : memref<3200xi32, #tpu.memory_space<vmem>>, vector<16xi32>,
        %parallel_loop3A_245 = arith.addi %parallel_loop3A_244, %parallel_loop3A_220 : vector<16xi32>
        tpu.vector_store_idx %arg8[%parallel_loop3A_245], %broadcast_in_dim3A_3 {add = true} : memref<272xf32, #tpu.memory_space<vmem>>[vector<16xi32>], vector<16xf32>,
        %parallel_loop3A_246 = arith.constant 80 : i32
        %parallel_loop3A_247 = arith.addi %parallel_loop3A_216, %parallel_loop3A_246 : i32
        %parallel_loop3A_248 = arith.index_cast %parallel_loop3A_247 : i32 to index
        %parallel_loop3A_249 = tpu.vector_load %arg6[%parallel_loop3A_248] {strides = array<i32>} : memref<3200xi32, #tpu.memory_space<vmem>>, vector<16xi32>,
        %parallel_loop3A_250 = arith.addi %parallel_loop3A_249, %parallel_loop3A_220 : vector<16xi32>
        tpu.vector_store_idx %arg8[%parallel_loop3A_250], %broadcast_in_dim3A_3 {add = true} : memref<272xf32, #tpu.memory_space<vmem>>[vector<16xi32>], vector<16xf32>,
        %parallel_loop3A_251 = arith.constant 96 : i32
        %parallel_loop3A_252 = arith.addi %parallel_loop3A_216, %parallel_loop3A_251 : i32
        %parallel_loop3A_253 = arith.index_cast %parallel_loop3A_252 : i32 to index
        %parallel_loop3A_254 = tpu.vector_load %arg6[%parallel_loop3A_253] {strides = array<i32>} : memref<3200xi32, #tpu.memory_space<vmem>>, vector<16xi32>,
        %parallel_loop3A_255 = arith.addi %parallel_loop3A_254, %parallel_loop3A_220 : vector<16xi32>
        tpu.vector_store_idx %arg8[%parallel_loop3A_255], %broadcast_in_dim3A_3 {add = true} : memref<272xf32, #tpu.memory_space<vmem>>[vector<16xi32>], vector<16xf32>,
        %parallel_loop3A_256 = arith.constant 112 : i32
        %parallel_loop3A_257 = arith.addi %parallel_loop3A_216, %parallel_loop3A_256 : i32
        %parallel_loop3A_258 = arith.index_cast %parallel_loop3A_257 : i32 to index
        %parallel_loop3A_259 = tpu.vector_load %arg6[%parallel_loop3A_258] {strides = array<i32>} : memref<3200xi32, #tpu.memory_space<vmem>>, vector<16xi32>,
        %parallel_loop3A_260 = arith.addi %parallel_loop3A_259, %parallel_loop3A_220 : vector<16xi32>
        tpu.vector_store_idx %arg8[%parallel_loop3A_260], %broadcast_in_dim3A_3 {add = true} : memref<272xf32, #tpu.memory_space<vmem>>[vector<16xi32>], vector<16xf32>,
        %parallel_loop3A_261 = arith.constant 128 : i32
        %parallel_loop3A_262 = arith.addi %parallel_loop3A_216, %parallel_loop3A_261 : i32
        %parallel_loop3A_263 = arith.index_cast %parallel_loop3A_262 : i32 to index
        %parallel_loop3A_264 = tpu.vector_load %arg6[%parallel_loop3A_263] {strides = array<i32>} : memref<3200xi32, #tpu.memory_space<vmem>>, vector<16xi32>,
        %parallel_loop3A_265 = arith.addi %parallel_loop3A_264, %parallel_loop3A_220 : vector<16xi32>
        tpu.vector_store_idx %arg8[%parallel_loop3A_265], %broadcast_in_dim3A_3 {add = true} : memref<272xf32, #tpu.memory_space<vmem>>[vector<16xi32>], vector<16xf32>,
        %parallel_loop3A_266 = arith.constant 144 : i32
        %parallel_loop3A_267 = arith.addi %parallel_loop3A_216, %parallel_loop3A_266 : i32
        %parallel_loop3A_268 = arith.index_cast %parallel_loop3A_267 : i32 to index
        %parallel_loop3A_269 = tpu.vector_load %arg6[%parallel_loop3A_268] {strides = array<i32>} : memref<3200xi32, #tpu.memory_space<vmem>>, vector<16xi32>,
        %parallel_loop3A_270 = arith.addi %parallel_loop3A_269, %parallel_loop3A_220 : vector<16xi32>
        tpu.vector_store_idx %arg8[%parallel_loop3A_270], %broadcast_in_dim3A_3 {add = true} : memref<272xf32, #tpu.memory_space<vmem>>[vector<16xi32>], vector<16xf32>,
        %parallel_loop3A_271 = arith.constant 160 : i32
        %parallel_loop3A_272 = arith.addi %parallel_loop3A_216, %parallel_loop3A_271 : i32
        %parallel_loop3A_273 = arith.index_cast %parallel_loop3A_272 : i32 to index
        %parallel_loop3A_274 = tpu.vector_load %arg6[%parallel_loop3A_273] {strides = array<i32>} : memref<3200xi32, #tpu.memory_space<vmem>>, vector<16xi32>,
        %parallel_loop3A_275 = arith.addi %parallel_loop3A_274, %parallel_loop3A_220 : vector<16xi32>
        tpu.vector_store_idx %arg8[%parallel_loop3A_275], %broadcast_in_dim3A_3 {add = true} : memref<272xf32, #tpu.memory_space<vmem>>[vector<16xi32>], vector<16xf32>,
        %parallel_loop3A_276 = arith.constant 176 : i32
        %parallel_loop3A_277 = arith.addi %parallel_loop3A_216, %parallel_loop3A_276 : i32
        %parallel_loop3A_278 = arith.index_cast %parallel_loop3A_277 : i32 to index
        %parallel_loop3A_279 = tpu.vector_load %arg6[%parallel_loop3A_278] {strides = array<i32>} : memref<3200xi32, #tpu.memory_space<vmem>>, vector<16xi32>,
        %parallel_loop3A_280 = arith.addi %parallel_loop3A_279, %parallel_loop3A_220 : vector<16xi32>
        tpu.vector_store_idx %arg8[%parallel_loop3A_280], %broadcast_in_dim3A_3 {add = true} : memref<272xf32, #tpu.memory_space<vmem>>[vector<16xi32>], vector<16xf32>,
        %parallel_loop3A_281 = arith.constant 200 : i32
        %parallel_loop3A_282 = arith.addi %parallel_loop3A_216, %parallel_loop3A_281 : i32
        %parallel_loop3A_283 = arith.constant 16 : i32
        %parallel_loop3A_284 = arith.subi %parallel_loop3A_282, %parallel_loop3A_283 : i32
        %parallel_loop3A_285 = arith.index_cast %parallel_loop3A_284 : i32 to index
        %parallel_loop3A_286 = tpu.vector_load %arg6[%parallel_loop3A_285] {strides = array<i32>} : memref<3200xi32, #tpu.memory_space<vmem>>, vector<16xi32>,
        %parallel_loop3A_287 = arith.addi %parallel_loop3A_286, %parallel_loop3A_220 : vector<16xi32>
        tpu.vector_store_idx %arg8[%parallel_loop3A_287], %broadcast_in_dim3A_3 masked %ge3A_11 {add = true} : memref<272xf32, #tpu.memory_space<vmem>>[vector<16xi32>], vector<16xf32>, vector<16xi1>
      } {sc.loop_unroll_factor = 2 : i64, sc.parallel_access}
      %scan3A_166 = arith.constant 0 : i32
      %scan3A_167 = arith.constant 16 : i32
      %scan3A_168 = arith.addi %scan3A_166, %scan3A_167 : i32
      %scan3A_169 = arith.constant 1 : i32
      %scan3A_170:4 = scf.for %scan3A_214 = %scan3A_166 to %scan3A_168 step %scan3A_169 iter_args(%scan3A_215 = %broadcast_in_dim3A_5, %scan3A_216 = %broadcast_in_dim3A_5, %scan3A_217 = %broadcast_in_dim3A_5, %scan3A_218 = %broadcast_in_dim3A_5) -> (vector<16xf32>, vector<16xf32>, vector<16xf32>, vector<16xf32>)  : i32 {
        %add3A_219 = vector.broadcast %scan3A_214 : i32 to vector<16xi32>
        %add3A_220 = arith.addi %mul3A_14, %add3A_219 : vector<16xi32>
        %gather3A = tpu.vector_load_idx %arg8[%add3A_220] : memref<272xf32, #tpu.memory_space<vmem>>[vector<16xi32>], vector<16xf32>,
        %mul3A_221 = arith.constant 4 : i32
        %mul3A_222 = arith.muli %scan3A_214, %mul3A_221 : i32
        %add3A_223 = vector.broadcast %mul3A_222 : i32 to vector<16xi32>
        %add3A_224 = arith.addi %mul3A_17, %add3A_223 : vector<16xi32>
        %add3A_225 = arith.constant 0 : i32
        %add3A_226 = vector.broadcast %add3A_225 : i32 to vector<16xi32>
        %add3A_227 = arith.addi %add3A_224, %add3A_226 : vector<16xi32>
        %gather3A_228 = tpu.vector_load_idx %arg7[%add3A_227] : memref<1040xf32, #tpu.memory_space<vmem>>[vector<16xi32>], vector<16xf32>,
        %mul3A_229 = arith.mulf %gather3A, %gather3A_228 : vector<16xf32>
        %add3A_230 = arith.addf %scan3A_215, %mul3A_229 : vector<16xf32>
        %add3A_231 = arith.constant 1 : i32
        %add3A_232 = vector.broadcast %add3A_231 : i32 to vector<16xi32>
        %add3A_233 = arith.addi %add3A_224, %add3A_232 : vector<16xi32>
        %gather3A_234 = tpu.vector_load_idx %arg7[%add3A_233] : memref<1040xf32, #tpu.memory_space<vmem>>[vector<16xi32>], vector<16xf32>,
        %mul3A_235 = arith.mulf %gather3A, %gather3A_234 : vector<16xf32>
        %add3A_236 = arith.addf %scan3A_216, %mul3A_235 : vector<16xf32>
        %add3A_237 = arith.constant 2 : i32
        %add3A_238 = vector.broadcast %add3A_237 : i32 to vector<16xi32>
        %add3A_239 = arith.addi %add3A_224, %add3A_238 : vector<16xi32>
        %gather3A_240 = tpu.vector_load_idx %arg7[%add3A_239] : memref<1040xf32, #tpu.memory_space<vmem>>[vector<16xi32>], vector<16xf32>,
        %mul3A_241 = arith.mulf %gather3A, %gather3A_240 : vector<16xf32>
        %add3A_242 = arith.addf %scan3A_217, %mul3A_241 : vector<16xf32>
        %add3A_243 = arith.constant 3 : i32
        %add3A_244 = vector.broadcast %add3A_243 : i32 to vector<16xi32>
        %add3A_245 = arith.addi %add3A_224, %add3A_244 : vector<16xi32>
        %gather3A_246 = tpu.vector_load_idx %arg7[%add3A_245] : memref<1040xf32, #tpu.memory_space<vmem>>[vector<16xi32>], vector<16xf32>,
        %mul3A_247 = arith.mulf %gather3A, %gather3A_246 : vector<16xf32>
        %add3A_248 = arith.addf %scan3A_218, %mul3A_247 : vector<16xf32>
        scf.yield %add3A_230, %add3A_236, %add3A_242, %add3A_248 : vector<16xf32>, vector<16xf32>, vector<16xf32>, vector<16xf32>
      }
      %scan3A_171 = arith.constant 16 : i32
      %mul3A_172 = arith.constant 64 : i32
      %mul3A_173 = arith.muli %add3A_128, %mul3A_172 : i32
      %mul3A_174 = arith.constant 4 : i32
      %mul3A_175 = vector.broadcast %mul3A_174 : i32 to vector<16xi32>
      %mul3A_176 = arith.muli %iota3A, %mul3A_175 : vector<16xi32>
      %add3A_177 = arith.constant 0 : i32
      %add3A_178 = arith.addi %mul3A_173, %add3A_177 : i32
      %add3A_179 = vector.broadcast %add3A_178 : i32 to vector<16xi32>
      %add3A_180 = arith.addi %mul3A_176, %add3A_179 : vector<16xi32>
      %mul3A_181 = arith.mulf %scan3A_170#0, %broadcast_in_dim3A_9 : vector<16xf32>
      tpu.vector_store_idx %arg9[%add3A_180], %mul3A_181 : memref<2048xf32, #tpu.memory_space<vmem>>[vector<16xi32>], vector<16xf32>,
      %mul3A_182 = arith.constant 4 : i32
      %mul3A_183 = vector.broadcast %mul3A_182 : i32 to vector<16xi32>
      %mul3A_184 = arith.muli %iota3A, %mul3A_183 : vector<16xi32>
      %add3A_185 = arith.constant 1 : i32
      %add3A_186 = arith.addi %mul3A_173, %add3A_185 : i32
      %add3A_187 = vector.broadcast %add3A_186 : i32 to vector<16xi32>
      %add3A_188 = arith.addi %mul3A_184, %add3A_187 : vector<16xi32>
      %mul3A_189 = arith.mulf %scan3A_170#1, %broadcast_in_dim3A_9 : vector<16xf32>
      tpu.vector_store_idx %arg9[%add3A_188], %mul3A_189 : memref<2048xf32, #tpu.memory_space<vmem>>[vector<16xi32>], vector<16xf32>,
      %mul3A_190 = arith.constant 4 : i32
      %mul3A_191 = vector.broadcast %mul3A_190 : i32 to vector<16xi32>
      %mul3A_192 = arith.muli %iota3A, %mul3A_191 : vector<16xi32>
      %add3A_193 = arith.constant 2 : i32
      %add3A_194 = arith.addi %mul3A_173, %add3A_193 : i32
      %add3A_195 = vector.broadcast %add3A_194 : i32 to vector<16xi32>
      %add3A_196 = arith.addi %mul3A_192, %add3A_195 : vector<16xi32>
      %mul3A_197 = arith.mulf %scan3A_170#2, %broadcast_in_dim3A_9 : vector<16xf32>
      tpu.vector_store_idx %arg9[%add3A_196], %mul3A_197 : memref<2048xf32, #tpu.memory_space<vmem>>[vector<16xi32>], vector<16xf32>,
      %mul3A_198 = arith.constant 4 : i32
      %mul3A_199 = vector.broadcast %mul3A_198 : i32 to vector<16xi32>
      %mul3A_200 = arith.muli %iota3A, %mul3A_199 : vector<16xi32>
      %add3A_201 = arith.constant 3 : i32
      %add3A_202 = arith.addi %mul3A_173, %add3A_201 : i32
      %add3A_203 = vector.broadcast %add3A_202 : i32 to vector<16xi32>
      %add3A_204 = arith.addi %mul3A_200, %add3A_203 : vector<16xi32>
      %mul3A_205 = arith.mulf %scan3A_170#3, %broadcast_in_dim3A_9 : vector<16xf32>
      tpu.vector_store_idx %arg9[%add3A_204], %mul3A_205 : memref<2048xf32, #tpu.memory_space<vmem>>[vector<16xi32>], vector<16xf32>,
      %add3A_206 = arith.constant 3 : i32
      %add3A_207 = arith.addi %mul3A_36, %add3A_206 : i32
      %lt3A_208 = arith.constant 32 : i32
      %lt3A_209 = arith.cmpi slt, %add3A_207, %lt3A_208 : i32
      %convert_element_type3A_210 = arith.extui %lt3A_209 : i1 to i32
      %cond3A_211 = arith.constant 0 : i32
      %cond3A_212 = arith.cmpi ne, %convert_element_type3A_210, %cond3A_211 : i32
      scf.if %cond3A_212 {
        %add3A_214 = arith.constant 3 : i32
        %add3A_215 = arith.addi %mul3A_36, %add3A_214 : i32
        %mul3A_216 = arith.constant 3200 : i32
        %mul3A_217 = arith.muli %add3A_215, %mul3A_216 : i32
        %add3A_218 = arith.addi %mul3A_2, %mul3A_217 : i32
        %dma_start3A_219 = tpu.memref_slice %arg2[%add3A_218] : memref<3276800xi32, #tpu.memory_space<hbm>> -> memref<3200xi32, #tpu.memory_space<hbm>>
        %dma_start3A_220 = tpu.memref_slice %arg2[%add3A_218] : memref<3276800xi32, #tpu.memory_space<hbm>> -> memref<3200xi32, #tpu.memory_space<hbm>>
        tpu.enqueue_dma source(%dma_start3A_220 : memref<3200xi32, #tpu.memory_space<hbm>>) target(%arg6 : memref<3200xi32, #tpu.memory_space<vmem>>) target_semaphore(%arg11 : memref<!tpu.dma_semaphore, #tpu.memory_space<semaphore_mem>>)
      } else {
      }
      %scan3A_213 = arith.constant 0 : i32
      scf.yield %scan3A_213 : i32
    }
    %scan3A_30 = arith.constant 16 : i32
    %mul3A_31 = arith.constant 2048 : i32
    %mul3A_32 = arith.muli %add3A, %mul3A_31 : i32
    "tpu.region"() ({
      %run_scoped3A = tpu.sem_alloc : memref<!tpu.dma_semaphore, #tpu.memory_space<semaphore_mem>>
      %dma_start3A_33 = tpu.memref_slice %arg4[%mul3A_32] : memref<65536xf32, #tpu.memory_space<hbm>> -> memref<2048xf32, #tpu.memory_space<hbm>>
      %dma_start3A_34 = tpu.memref_slice %arg4[%mul3A_32] : memref<65536xf32, #tpu.memory_space<hbm>> -> memref<2048xf32, #tpu.memory_space<hbm>>
      tpu.enqueue_dma source(%arg9 : memref<2048xf32, #tpu.memory_space<vmem>>) target(%dma_start3A_34 : memref<2048xf32, #tpu.memory_space<hbm>>) target_semaphore(%run_scoped3A : memref<!tpu.dma_semaphore, #tpu.memory_space<semaphore_mem>>)
      %dma_wait3A = tpu.memref_slice %arg4[%mul3A_32] : memref<65536xf32, #tpu.memory_space<hbm>> -> memref<2048xf32, #tpu.memory_space<hbm>>
      %dma_wait3A_35 = tpu.memref_slice %arg4[%mul3A_32] : memref<65536xf32, #tpu.memory_space<hbm>> -> memref<2048xf32, #tpu.memory_space<hbm>>
      tpu.wait_dma2 semaphore(%run_scoped3A : memref<!tpu.dma_semaphore, #tpu.memory_space<semaphore_mem>>) src(%arg9 : memref<2048xf32, #tpu.memory_space<vmem>>) dst(%dma_wait3A_35 : memref<2048xf32, #tpu.memory_space<hbm>>)
      tpu.yield
    }) : () -> ()
    return
  }
}

</mosaic_0001>

<sc_bundles>
// kernel: kernel.3.cloned.1.call-start
scs
__scs_entry_jumppad:
0x0: {  	(pc) =	sbr.rel $0x88, $3  }
0x1: {  	(tag) =	ssettag $0x0;
	lr =	simm.s32 $0x1  }
0x2: {  	[smem:$0x3F9F] =	sst lr;
	_ =	strace $0xD0000000  }
0x3: {  	_ = 	snop  }
0x4: {  	_ = 	snop  }
0x5: {  	_ = 	snop  }
0x6: {  	_ = 	snop  }
0x7: {  	_ = 	snop  }
__scs_overlays_trampoline_lowered:
0x8: {  	[smem:$0x3FAE] =	sst s0  }
0x9: {  	[smem:$0x3FAF] =	sst s1  }
0xa: {  	[smem:$0x3FB0] =	sst s2  }
0xb: {  	[smem:$0x3FB1] =	sst s3  }
0xc: {  	[smem:$0x3FB2] =	sst s4  }
0xd: {  	[smem:$0x3FB3] =	sst s5  }
0xe: {  	[smem:$0x3FB4] =	sst s6  }
0xf: {  	[smem:$0x3FB5] =	sst s7  }
0x10: {  	[smem:$0x3FB6] =	sst s8  }
0x11: {  	[smem:$0x3FB7] =	sst s9;
	s0 =	simm.s32 @!p0 $0x0  }
0x12: {  	s1 =	sld [smem:$0x3F9D];
	s0 =	simm.s32 @p0 $0x1  }
0x13: {  	[smem:$0x3FB8] =	sst s0;
	s0 =	simm.s32 @!p1 $0x0  }
0x14: {  	s2 =	sld [smem:$0x3F9C];
	s0 =	simm.s32 @p1 $0x1  }
0x15: {  	[smem:$0x3FB9] =	sst s0;
	s0 =	simm.s32 @!p2 $0x0  }
0x16: {  	s3 =	sld [smem:$0x3FDB];
	s0 =	simm.s32 @p2 $0x1  }
0x17: {  	s4 =	simm.s32 $0x1BF5;
	[smem:$0x3FBB] =	sst s0  }
0x18: {  	s0 =	sld [smem:$0x3F9E];
	_ =	swait.ge [sflag:s4], $0x0  }
0x19: {  	s7 =	sld [smem:$0x3F9F]  }
0x1a: {  	s8 =	sadd.s32 $0xFFFFE003, lr  }
0x1b: {  	s9 =	sadd.s32 $0xFFFFFEF7, lr;
	s5 =	simm.s32 $0xFFFFFFFF;
	p2 =	slt.u32 s8, $0xFFFFF086  }
0x1c: {  	p1 =	slt.u32 s9, $0xF7A;
	s5 =	simm.s32 @!p2 $0x0  }
0x1d: {  	s5 =	simm.s32 @p1 $0x1;
	p0 =	seq.s32 s7, s2  }
0x1e: {  	s7 =	smul.u32 @!p0 $0xF7A, s2;
	p2 =	seq.s32 @!p0 s5, $0x0  }
0x1f: {  	s9 =	smul.u32 $0xF7A, s1;
	s8 =	simm.s32 @!p0 $0x1BF5;
	p2 =	por !p2, p0  }
0x20: {  	[sflag:s8] =	ssyncset.s32 @!p0 $0xFFFFF086;
	s6 =	sadd.s32 @!p0 s3, s7;
	s7 =	simm.s32 @!p0 $0x108  }
0x21: {  	s3 =	sadd.s32 s3, s9;
	s6 =	sadd.s32 @!p0 $0x88, s6;
	s7 =	simm.s32 @p2 $0x1082  }
0x22: {  	[simem:s7], [sflag:s8] =	dma.local @!p0 [hbm:s6], $0xF7A  }
0x23: {  	s9 =	sor.u32 $0xD0000000, s2;
	s6 =	simm.s32 $0x108;
	_ =	swait.ge @!p0 [sflag:s8], $0x0  }
0x24: {  	s3 =	sadd.s32 $0x88, s3;
	s6 =	simm.s32 @!p1 $0x1082;
	[sflag:s4] =	ssyncset.s32 $0xFFFFF086  }
0x25: {  	[simem:s6], [sflag:s4] =	dma.local [hbm:s3], $0xF7A  }
0x26: {  	[smem:$0x3F9F] =	sst s1;
	(tag) =	ssettag s2;
	_ =	strace s9  }
0x27: {  	s1 =	sld [smem:$0x3FAF]  }
0x28: {  	s2 =	sld [smem:$0x3FB0]  }
0x29: {  	s4 =	sld [smem:$0x3FB2]  }
0x2a: {  	p0 =	seq.s32 s5, $0x0;
	s5 =	sld [smem:$0x3FB3]  }
0x2b: {  	s6 =	sld [smem:$0x3FB4]  }
0x2c: {  	s7 =	sld [smem:$0x3FB5]  }
0x2d: {  	s3 =	simm.s32 $0x108;
	s8 =	sld [smem:$0x3FB6]  }
0x2e: {  	s3 =	simm.s32 @!p0 $0x1082;
	s9 =	sld [smem:$0x3FB7]  }
0x2f: {  	lr =	sadd.s32 s0, s3;
	s0 =	sld [smem:$0x3FAE]  }
0x30: {  	s3 =	sld [smem:$0x3FB1]  }
0x31: {  	[smem:$0x3FBA] =	sst s10  }
0x32: {  	s10 =	sld [smem:$0x3FB8];
	_ =	sdelay $0x3  }
0x33: {  	p0 =	seq.s32 s10, $0x1;
	s10 =	sld [smem:$0x3FBA];
	_ =	sdelay $0x3  }
0x34: {  	[smem:$0x3FBA] =	sst s10  }
0x35: {  	s10 =	sld [smem:$0x3FB9];
	_ =	sdelay $0x3  }
0x36: {  	p1 =	seq.s32 s10, $0x1;
	s10 =	sld [smem:$0x3FBA];
	_ =	sdelay $0x3  }
0x37: {  	[smem:$0x3FBA] =	sst s10  }
0x38: {  	s10 =	sld [smem:$0x3FBB]  }
0x39: {  	_ = 	snop;
	(pc) =	sbr.ind lr, $3  }
0x3a: {  	_ = 	snop  }
0x3b: {  	_ = 	snop  }
0x3c: {  	p2 =	seq.s32 s10, $0x1;
	s10 =	sld [smem:$0x3FBA]  }
0x3d: {  	_ =	shalt  }
0x3e: {  	_ =	shalt  }
0x3f: {  	_ =	shalt  }
0x40: {  	_ =	shalt  }
0x41: {  	_ =	shalt  }
0x42: {  	_ =	shalt  }
0x43: {  	_ =	shalt  }
0x44: {  	_ =	shalt  }
0x45: {  	_ =	shalt  }
0x46: {  	_ =	shalt  }
0x47: {  	_ =	shalt  }
0x48: {  	_ =	shalt  }
0x49: {  	_ =	shalt  }
0x4a: {  	_ =	shalt  }
0x4b: {  	_ =	shalt  }
0x4c: {  	_ =	shalt  }
0x4d: {  	_ =	shalt  }
0x4e: {  	_ =	shalt  }
0x4f: {  	_ =	shalt  }
0x50: {  	_ =	shalt  }
0x51: {  	_ =	shalt  }
0x52: {  	_ =	shalt  }
0x53: {  	_ =	shalt  }
0x54: {  	_ =	shalt  }
0x55: {  	_ =	shalt  }
0x56: {  	_ =	shalt  }
0x57: {  	_ =	shalt  }
0x58: {  	_ =	shalt  }
0x59: {  	_ =	shalt  }
0x5a: {  	_ =	shalt  }
0x5b: {  	_ =	shalt  }
0x5c: {  	_ =	shalt  }
0x5d: {  	_ =	shalt  }
0x5e: {  	_ =	shalt  }
0x5f: {  	_ =	shalt  }
0x60: {  	_ =	shalt  }
0x61: {  	_ =	shalt  }
0x62: {  	_ =	shalt  }
0x63: {  	_ =	shalt  }
0x64: {  	_ =	shalt  }
0x65: {  	_ =	shalt  }
0x66: {  	_ =	shalt  }
0x67: {  	_ =	shalt  }
0x68: {  	_ =	shalt  }
0x69: {  	_ =	shalt  }
0x6a: {  	_ =	shalt  }
0x6b: {  	_ =	shalt  }
0x6c: {  	_ =	shalt  }
0x6d: {  	_ =	shalt  }
0x6e: {  	_ =	shalt  }
0x6f: {  	_ =	shalt  }
0x70: {  	_ =	shalt  }
0x71: {  	_ =	shalt  }
0x72: {  	_ =	shalt  }
0x73: {  	_ =	shalt  }
0x74: {  	_ =	shalt  }
0x75: {  	_ =	shalt  }
0x76: {  	_ =	shalt  }
0x77: {  	_ =	shalt  }
0x78: {  	_ =	shalt  }
0x79: {  	_ =	shalt  }
0x7a: {  	_ =	shalt  }
0x7b: {  	_ =	shalt  }
0x7c: {  	_ =	shalt  }
0x7d: {  	_ =	shalt  }
0x7e: {  	_ =	shalt  }
0x7f: {  	_ =	shalt  }
0x80: {  	_ =	shalt  }
0x81: {  	_ =	shalt  }
0x82: {  	_ =	shalt  }
0x83: {  	_ =	shalt  }
0x84: {  	_ =	shalt  }
0x85: {  	_ =	shalt  }
0x86: {  	_ =	shalt  }
0x87: {  	_ =	shalt  }
.Lfunc_end0:
.L_simem_size_0:
called_computation_lowered:
.L_overlay_start_0:
0x88: {  	s2 =	sld [smem:$0x3FD9]  }
0x89: {  	s3 =	sld [smem:$0x3FFE];
	_ =	sdelay $0x1  }
0x8a: {  	s1 =	srdreg.scid  }
0x8b: {  	s0 =	sand.u32 $0x1, s1  }
0x8c: {  	s17 =	sshll.u32 s0, $0xA;
	s2 =	sadd.s32 s3, s2  }
0x8d: {  	s2 =	sadd.s32 s2, s17  }
0x8e: {  	[smem:$0x3FC6] =	sst s2  }
0x8f: {  	_ = 	snop  }
0x90: {  	s2 =	sld [smem:$0x3FD0];
	(tm) =	ssettm $0x1  }
0x91: {  	s18 =	sld [smem:$0x3FFB];
	_ =	sdelay $0x3  }
0x92: {  	_ =	strace s18  }
0x93: {  	s3 =	sld [smem:$0x3FFC];
	_ =	sdelay $0x3  }
0x94: {  	_ =	strace s3  }
0x95: {  	s3 =	sld [smem:$0x3FFD];
	_ =	sdelay $0x3  }
0x96: {  	_ =	strace s3  }
0x97: {  	_ =	strace $0x8FFFFFFF  }
0x98: {  	s19 =	sld [smem:$0x3FDB];
	_ =	sdelay $0x1  }
0x99: {  	s4 =	simm.s32 $_scs_section_size  }
0x9a: {  	s5 =	simm.s32 $_size__tile_overlayer_lowered;
	s6 =	simm.s32 $_tile_overlayer_lowered  }
0x9b: {  	s22 =	simm.s32 $0x1BFF;
	s21 =	sshll.u32 s6, $0x1;
	s3 =	sadd.s32 s4, s19  }
0x9c: {  	s7 =	simm.s32 $0x0;
	s20 =	sshll.u32 s5, $0x1;
	s5 =	sadd.s32 s21, s3  }
0x9d: {  	[timem:s7], [sflag:s22] =	dma.local [hbm:s5], s20  }
0x9e: {  	_ =	swait.ge [sflag:s22], s20  }
0x9f: {  	s4 =	ssub.s32 $0x0, s20;
	[sflag:s22] =	ssyncset.done $0x0  }
0xa0: {  	[sflag:s22] =	ssyncadd.s32 s4;
	_ =	sdelay $0x1  }
0xa1: {  	s23 =	simm.s32 $0x1B8B  }
0xa2: {  	_ =	swait.ge [sflag:s23], $0x1  }
0xa3: {  	[sflag:s23] =	ssyncset.done $0x0  }
0xa4: {  	s25 =	simm.s32 $0x1B8E;
	s24 =	sld [smem:$0x3FFE];
	[sflag:s23] =	ssyncadd.s32 $0xFFFFFFFF  }
0xa5: {  	s26 =	simm.s32 $execute0_lowered;
	[smem:$0x3FD2] =	sst s25  }
0xa6: {  	s5 =	sshll.u32 s26, $0x1;
	_ =	strace $0x80000046;
	[dreg:$0x1] =	wrdreg $0xFFFFFFFF  }
0xa7: {  	s28 =	simm.s32 $_size_execute0_lowered;
	s3 =	sadd.s32 s3, s5;
	[dreg:$0x0] =	wrdreg $0x0  }
0xa8: {  	s5 =	sshll.u32 s28, $0x1;
	[dreg:$0x2] =	wrdreg s3  }
0xa9: {  	[dreg:$0x3] =	wrdreg s5  }
0xaa: {  	[dreg:$0x4] =	wrdreg $0xC0  }
0xab: {  	_ =	task [dreg:s7], $0x5FFFF  }
0xac: {  	[dreg:$0x1] =	wrdreg $0xFFFFFFFF  }
0xad: {  	[dreg:$0x0] =	wrdreg $0x60  }
0xae: {  	[dreg:$0x2] =	wrdreg s24  }
0xaf: {  	[dreg:$0x3] =	wrdreg s2  }
0xb0: {  	[dreg:$0x4] =	wrdreg $0x9  }
0xb1: {  	_ =	task.clear_ibuf [dreg:s7], $0x5FFFF;
	_ =	strace $0x90000046  }
0xb2: {  	s29 =	simm.s32 $0x9;
	_ =	strace $0x80000048  }
0xb3: {  	_ =	swait.ge [sflag:s29], $0x1  }
0xb4: {  	[sflag:s29] =	ssyncadd.s32 $0xFFFFFFFF  }
0xb5: {  	_ =	strace $0x90000048  }
0xb6: {  	_ =	sfence  }
0xb7: {  	s30 =	sld [smem:$0x0];
	_ =	sdelay $0x2  }
0xb8: {  	s31 =	sshll.u32 s1, $0xD;
	s1 =	sshrl.u32 s1, $0x2  }
0xb9: {  	s3 =	sand.u32 $0x4000, s31;
	s1 =	sadd.s32 s1, s30  }
0xba: {  	s0 =	sor.u32 s3, s0;
	s1 =	sshll.u32 s1, $0x11  }
0xbb: {  	s0 =	sor.u32 s1, s0  }
0xbc: {  	s0 =	sadd.s32 $0x8F2B, s0  }
0xbd: {  	[sflag:s0] =	ssyncadd.remote.s32 $0x1  }
0xbe: {  	_ =	sfence.sel $0xFFFF  }
0xbf: {  	[dreg:$0x0] =	wrdreg $0xFFFFFFFF;
	(pc) =	sbr.abs _section_cstart, $3  }
0xc0: {  	[dreg:$0x1] =	wrdreg $0xFFFFFFFF  }
0xc1: {  	_ =	task.clear_ibuf [dreg:s7], $0x2FFFF;
	_ =	strace $0x9FFFFFFF  }
0xc2: {  	(tm) =	ssettm $0x7FFFFFFF  }
0xc3: {  	_ =	shalt  }
tec
execute0_lowered:
.L_overlay_start_1:
0x0: {  	(tag) =	ssettag $0x1  }
0x1: {  	s0 =	rddreg [dreg:$0x0];
	s1 =	srdreg.scid  }
0x2: {  	s2 =	stileid.u32;
	s4 =	rddreg [dreg:$0x1]  }
0x3: {  	s11 =	simm.s32 $0x1900;
	s12 =	simm.s32 $0x3;
	s13 =	simm.s32 $0xC80  }
0x4: {  	s14 =	simm.s32 $0x1;
	s15 =	simm.s32 $0x1D80;
	s16 =	simm.s32 $0x1F00  }
0x5: {  	s1 =	sand.u32 $0x1, s1;
	s3 =	sshll.u32 s2, $0x1;
	s2 =	simm.s32 $0x0  }
0x6: {  	s17 =	simm.s32 $0x2;
	s6 =	sor.u32 s1, s3;
	[smem:$0x7FF] =	sst s2  }
0x7: {  	v4 =	vlaneseq.u32;
	s3 =	sadd.s32 $0x600, s0;
	s1 =	ssub.s32 $0x2, s1;
	s0 =	sadd.s32 $0x64600, s0  }
0x8: {  	v0 =	vmul.u32 $0x41, v4;
	s8 =	smul.u32 $0x19000, s6;
	_ =	strace $0x80000047;
	[dreg:$0x3] =	wrdreg s0  }
.Ltmp0:
0x9: {  	v1 =	vimm.f32 $0.0e+00;
	v2 =	vimm.f32 $1.000000000e+00;
	v3 =	vmul.u32 $0x4, v4;
	s29 =	sshrl.u32 s1, $0x1;
	s31 =	sshll.u32 s6, $0x8;
	(pc) =	sbr.rel .LBB2_1-.Ltmp0, $4  }
0xa: {  	vm0 =	vcmask $0x3F20;
	v4 =	vmul.u32 $0x11, v4;
	v5 =	vadd.s32 $0x1, v0;
	s0 =	ssub.s32 s1, s29;
	s1 =	sadd.s32 s4, s31;
	s5 =	sshrl.u32 s8, $0x3  }
0xb: {  	v6 =	vadd.s32 $0x2, v0;
	v7 =	vadd.s32 $0x3, v0;
	v8 =	vor.u32 $0x1, v3;
	[dreg:$0x5] =	wrdreg s1;
	s0 =	smax.u32 s0, $0x1;
	s5 =	sadd.s32 s3, s5  }
0xc: {  	s18 =	simm.s32 $0x0;
	v9 =	vor.u32 $0x2, v3;
	v10 =	vor.u32 $0x3, v3;
	v11 =	vor.u32 $0x40, v3;
	[dreg:$0x6] =	wrdreg s0;
	s30 =	sadd.s32 $0x190, s5  }
0xd: {  	v12 =	vor.u32 $0x41, v3;
	v13 =	vor.u32 $0x42, v3;
	v14 =	vor.u32 $0x43, v3;
	s7 =	sadd.s32 $0x1900, s8;
	s8 =	sadd.s32 $0x2580, s8;
	[dreg:$0x4] =	wrdreg s30  }
.LBB2_12:
0xe: {  	s0 =	rddreg [dreg:$0x5]  }
0xf: {  	[hbm4b:s0+s2] =	stream.linear.scatter [tilespmem:s16], [sflag:$0x3], $0x800, $0x38;
	[tilespmem:$0x2700] =	vst v63  }
0x10: {  	_ =	swait.ge [sflag:s12], $0x800  }
0x11: {  	s18 =	sadd.s32 $0x1, s18;
	s31 =	rddreg [dreg:$0x6]  }
0x12: {  	p0 =	sne.s32 s18, s31  }
.Ltmp1:
0x13: {  	_ = 	snop;
	(pc) =	sbr.rel @!p0 .LBB2_13-.Ltmp1, $3  }
0x14: {  	_ =	sdelay $0x1  }
0x15: {  	[sflag:s12] =	ssyncset.done $0x0  }
0x16: {  	[sflag:s12] =	ssyncadd.s32 $0xFFFFF800  }
.LBB2_1:
0x17: {  	s0 =	rddreg [dreg:$0x3]  }
0x18: {  	[tilespmem:s11], [sflag:$0x3] =	stream.linear.gather [hbm4b:s0+s2], $0x480, $0x38;
	[tilespmem:$0x2700] =	vst v63  }
0x19: {  	_ =	swait.ge [sflag:s12], $0x480  }
0x1a: {  	[sflag:s12] =	ssyncset.done $0x0  }
0x1b: {  	[sflag:s12] =	ssyncadd.s32 $0xFFFFFB80  }
0x1c: {  	[tilespmem:s2], [sflag:$0x1] =	stream.linear.gather [hbm4b:s5+s2], $0xC80, $0x38;
	[tilespmem:$0x2700] =	vst v63  }
0x1d: {  	s19 =	simm.s32 $0x0;
	s31 =	rddreg [dreg:$0x4]  }
0x1e: {  	[tilespmem:s13], [sflag:$0x2] =	stream.linear.gather [hbm4b:s31+s2], $0xC80, $0x38;
	[tilespmem:$0x2700] =	vst v63  }
.LBB2_2:
0x1f: {  	_ =	swait.ge [sflag:s14], $0xC80  }
0x20: {  	[sflag:s14] =	ssyncset.done $0x0  }
0x21: {  	[sflag:s14] =	ssyncadd.s32 $0xFFFFF380  }
0x22: {  	[tilespmem:$0x1D80] =	vst v1  }
0x23: {  	[tilespmem:$0x1D90] =	vst v1  }
0x24: {  	[tilespmem:$0x1DA0] =	vst v1  }
0x25: {  	[tilespmem:$0x1DB0] =	vst v1  }
0x26: {  	[tilespmem:$0x1DC0] =	vst v1  }
0x27: {  	[tilespmem:$0x1DD0] =	vst v1  }
0x28: {  	[tilespmem:$0x1DE0] =	vst v1  }
0x29: {  	[tilespmem:$0x1DF0] =	vst v1  }
0x2a: {  	[tilespmem:$0x1E00] =	vst v1  }
0x2b: {  	[tilespmem:$0x1E10] =	vst v1  }
0x2c: {  	[tilespmem:$0x1E20] =	vst v1  }
0x2d: {  	[tilespmem:$0x1E30] =	vst v1  }
0x2e: {  	[tilespmem:$0x1E40] =	vst v1  }
0x2f: {  	[tilespmem:$0x1E50] =	vst v1  }
0x30: {  	[tilespmem:$0x1E60] =	vst v1  }
0x31: {  	[tilespmem:$0x1E70] =	vst v1  }
0x32: {  	s21 =	simm.s32 $0xC8;
	[tilespmem:$0x1E80] =	vst v1  }
0x33: {  	v15 =	vld [tilespmem:s21+$0x0];
	_ =	sdelay $0x3  }
0x34: {  	s0 =	simm.s32 $0x11  }
0x35: {  	v15 =	vadd.s32 s0, v15;
	_ =	sdelay $0x4  }
0x36: {  	[tilespmem:v15+s15+$0x0] =	vst.idx.add.f32.msk $0xffff, v2  }
0x37: {  	v15 =	vld [tilespmem:s21+$0x10];
	_ =	sdelay $0x4  }
0x38: {  	v15 =	vadd.s32 s0, v15;
	_ =	sdelay $0x4  }
0x39: {  	[tilespmem:v15+s15+$0x0] =	vst.idx.add.f32.msk $0xffff, v2  }
0x3a: {  	v15 =	vld [tilespmem:s21+$0x20];
	_ =	sdelay $0x1  }
0x3b: {  	v16 =	vld [tilespmem:s21+$0xFFFFFF38];
	_ =	sdelay $0x2  }
0x3c: {  	v15 =	vadd.s32 s0, v15  }
0x3d: {  	s20 =	simm.s32 $0x0  }
0x3e: {  	v16 =	vadd.s32 s20, v16;
	_ =	sdelay $0x2  }
0x3f: {  	[tilespmem:v15+s15+$0x0] =	vst.idx.add.f32.msk $0xffff, v2  }
0x40: {  	v15 =	vld [tilespmem:s21+$0x30]  }
0x41: {  	[tilespmem:v16+s15+$0x0] =	vst.idx.add.f32.msk $0xffff, v2  }
0x42: {  	v16 =	vld [tilespmem:s21+$0xFFFFFF48];
	_ =	sdelay $0x2  }
0x43: {  	v15 =	vadd.s32 s0, v15;
	_ =	sdelay $0x1  }
0x44: {  	v16 =	vadd.s32 s20, v16  }
0x45: {  	s23 =	simm.s32 $0x258  }
0x46: {  	v17 =	vld [tilespmem:s23+$0x0]  }
0x47: {  	[tilespmem:v15+s15+$0x0] =	vst.idx.add.f32.msk $0xffff, v2  }
0x48: {  	v15 =	vld [tilespmem:s21+$0x40]  }
0x49: {  	[tilespmem:v16+s15+$0x0] =	vst.idx.add.f32.msk $0xffff, v2  }
0x4a: {  	s22 =	simm.s32 $0x33;
	v16 =	vld [tilespmem:s21+$0xFFFFFF58]  }
0x4b: {  	v17 =	vadd.s32 s22, v17;
	_ =	sdelay $0x1  }
0x4c: {  	v15 =	vadd.s32 s0, v15;
	_ =	sdelay $0x1  }
0x4d: {  	v16 =	vadd.s32 s20, v16  }
0x4e: {  	[tilespmem:v17+s15+$0x0] =	vst.idx.add.f32.msk $0xffff, v2  }
0x4f: {  	v17 =	vld [tilespmem:s23+$0x10]  }
0x50: {  	[tilespmem:v15+s15+$0x0] =	vst.idx.add.f32.msk $0xffff, v2  }
0x51: {  	v15 =	vld [tilespmem:s21+$0x50]  }
0x52: {  	[tilespmem:v16+s15+$0x0] =	vst.idx.add.f32.msk $0xffff, v2  }
0x53: {  	v16 =	vld [tilespmem:s21+$0xFFFFFF68]  }
0x54: {  	v17 =	vadd.s32 s22, v17;
	_ =	sdelay $0x1  }
0x55: {  	v15 =	vadd.s32 s0, v15;
	_ =	sdelay $0x1  }
0x56: {  	v18 =	vld [tilespmem:s23+$0xFFFFFF38];
	v16 =	vadd.s32 s20, v16  }
0x57: {  	[tilespmem:v17+s15+$0x0] =	vst.idx.add.f32.msk $0xffff, v2  }
0x58: {  	v17 =	vld [tilespmem:s23+$0x20]  }
0x59: {  	[tilespmem:v15+s15+$0x0] =	vst.idx.add.f32.msk $0xffff, v2  }
0x5a: {  	s24 =	simm.s32 $0x22;
	v15 =	vld [tilespmem:s21+$0x60]  }
0x5b: {  	v18 =	vadd.s32 s24, v18;
	[tilespmem:v16+s15+$0x0] =	vst.idx.add.f32.msk $0xffff, v2  }
0x5c: {  	v16 =	vld [tilespmem:s21+$0xFFFFFF78]  }
0x5d: {  	v17 =	vadd.s32 s22, v17;
	_ =	sdelay $0x1  }
0x5e: {  	v15 =	vadd.s32 s0, v15  }
0x5f: {  	[tilespmem:v18+s15+$0x0] =	vst.idx.add.f32.msk $0xffff, v2  }
0x60: {  	v18 =	vld [tilespmem:s23+$0xFFFFFF48];
	v16 =	vadd.s32 s20, v16  }
0x61: {  	[tilespmem:v17+s15+$0x0] =	vst.idx.add.f32.msk $0xffff, v2  }
0x62: {  	v17 =	vld [tilespmem:s23+$0x30]  }
0x63: {  	[tilespmem:v15+s15+$0x0] =	vst.idx.add.f32.msk $0xffff, v2  }
0x64: {  	v15 =	vld [tilespmem:s21+$0x70]  }
0x65: {  	v18 =	vadd.s32 s24, v18;
	[tilespmem:v16+s15+$0x0] =	vst.idx.add.f32.msk $0xffff, v2  }
0x66: {  	v16 =	vld [tilespmem:s21+$0xFFFFFF88]  }
0x67: {  	v17 =	vadd.s32 s22, v17;
	_ =	sdelay $0x1  }
0x68: {  	v15 =	vadd.s32 s0, v15  }
0x69: {  	[tilespmem:v18+s15+$0x0] =	vst.idx.add.f32.msk $0xffff, v2  }
0x6a: {  	v18 =	vld [tilespmem:s23+$0xFFFFFF58];
	v16 =	vadd.s32 s20, v16  }
0x6b: {  	[tilespmem:v17+s15+$0x0] =	vst.idx.add.f32.msk $0xffff, v2  }
0x6c: {  	v17 =	vld [tilespmem:s23+$0x40]  }
0x6d: {  	s1 =	sand.u32 $0xFF8, s21;
	[tilespmem:v15+s15+$0x0] =	vst.idx.add.f32.msk $0xffff, v2  }
0x6e: {  	v15 =	vld [tilespmem:s1+$0x80]  }
0x6f: {  	v18 =	vadd.s32 s24, v18;
	[tilespmem:v16+s15+$0x0] =	vst.idx.add.f32.msk $0xffff, v2  }
0x70: {  	v16 =	vld [tilespmem:s21+$0xFFFFFF98]  }
0x71: {  	v17 =	vadd.s32 s22, v17  }
0x72: {  	s25 =	simm.s32 $0x3E8  }
0x73: {  	v19 =	vld [tilespmem:s25+$0x0];
	v15 =	vadd.s32 s0, v15  }
0x74: {  	[tilespmem:v18+s15+$0x0] =	vst.idx.add.f32.msk $0xffff, v2  }
0x75: {  	v18 =	vld [tilespmem:s23+$0xFFFFFF68];
	v16 =	vadd.s32 s20, v16  }
0x76: {  	[tilespmem:v17+s15+$0x0] =	vst.idx.add.f32.msk $0xffff, v2  }
0x77: {  	s26 =	simm.s32 $0x55;
	v17 =	vld [tilespmem:s23+$0x50]  }
0x78: {  	v19 =	vadd.s32 s26, v19;
	[tilespmem:v15+s15+$0x0] =	vst.idx.add.f32.msk $0xffff, v2  }
0x79: {  	v15 =	vld [tilespmem:s21+$0x90]  }
0x7a: {  	v18 =	vadd.s32 s24, v18;
	[tilespmem:v16+s15+$0x0] =	vst.idx.add.f32.msk $0xffff, v2  }
0x7b: {  	v16 =	vld [tilespmem:s21+$0xFFFFFFA8];
	_ =	sdelay $0x1  }
0x7c: {  	[tilespmem:v19+s15+$0x0] =	vst.idx.add.f32.msk $0xffff, v2;
	v17 =	vadd.s32 s22, v17  }
0x7d: {  	v19 =	vld [tilespmem:s25+$0x10];
	v15 =	vadd.s32 s0, v15  }
0x7e: {  	[tilespmem:v18+s15+$0x0] =	vst.idx.add.f32.msk $0xffff, v2  }
0x7f: {  	v20 =	vld [tilespmem:s23+$0xFFFFFF78];
	v16 =	vadd.s32 s20, v16  }
0x80: {  	v18 =	vld [tilespmem:s25+$0xFFFFFF38]  }
0x81: {  	[tilespmem:v17+s15+$0x0] =	vst.idx.add.f32.msk $0xffff, v2  }
0x82: {  	[tilespmem:v15+s15+$0x0] =	vst.idx.add.f32.msk $0xffff, v2  }
0x83: {  	s9 =	sand.u32 $0x3FFFFF80, s20;
	v19 =	vadd.s32 s26, v19;
	v15 =	vld [tilespmem:s21+$0xA0]  }
0x84: {  	s30 =	simm.s32 $0x44;
	v17 =	vadd.s32 s24, v20;
	[tilespmem:v16+s15+$0x0] =	vst.idx.add.f32.msk $0xffff, v2;
	s1 =	sadd.s32 $0x80, s9  }
0x85: {  	v16 =	vadd.s32 s30, v18;
	v18 =	vld [tilespmem:s1+$0x0];
	_ =	sdelay $0x1  }
0x86: {  	v20 =	vld [tilespmem:s23+$0x60]  }
0x87: {  	[tilespmem:v19+s15+$0x0] =	vst.idx.add.f32.msk $0xffff, v2;
	v15 =	vadd.s32 s0, v15  }
0x88: {  	[tilespmem:v17+s15+$0x0] =	vst.idx.add.f32.msk $0xffff, v2  }
0x89: {  	[tilespmem:v16+s15+$0x0] =	vst.idx.add.f32.msk $0xffff, v2;
	v16 =	vadd.s32 s20, v18  }
0x8a: {  	v18 =	vld [tilespmem:s25+$0xFFFFFF48]  }
0x8b: {  	v17 =	vadd.s32 s22, v20;
	v20 =	vld [tilespmem:s23+$0xFFFFFF88]  }
0x8c: {  	[tilespmem:v15+s15+$0x0] =	vst.idx.add.f32.msk $0xffff, v2  }
0x8d: {  	v15 =	vld [tilespmem:s21+$0xB0]  }
0x8e: {  	[tilespmem:v16+s15+$0x0] =	vst.idx.add.f32.msk $0xffff, v2  }
0x8f: {  	v16 =	vadd.s32 s30, v18;
	v18 =	vld [tilespmem:s25+$0x20]  }
0x90: {  	v20 =	vadd.s32 s24, v20  }
0x91: {  	[tilespmem:v17+s15+$0x0] =	vst.idx.add.f32.msk $0xffff, v2  }
0x92: {  	v19 =	vld [tilespmem:s21+$0xFFFFFFC8];
	v15 =	vadd.s32 s0, v15  }
0x93: {  	v17 =	vld [tilespmem:s23+$0x70]  }
0x94: {  	[tilespmem:v16+s15+$0x0] =	vst.idx.add.f32.msk $0xffff, v2;
	v16 =	vadd.s32 s26, v18  }
0x95: {  	[tilespmem:v20+s15+$0x0] =	vst.idx.add.f32.msk $0xffff, v2  }
0x96: {  	v20 =	vld [tilespmem:s23+$0xFFFFFF98]  }
0x97: {  	v19 =	vadd.s32 s20, v19;
	[tilespmem:v15+s15+$0x0] =	vst.idx.add.f32.msk $0xffff, v2  }
0x98: {  	v15 =	vld [tilespmem:s25+$0xFFFFFF58]  }
0x99: {  	v17 =	vadd.s32 s22, v17;
	[tilespmem:v16+s15+$0x0] =	vst.idx.add.f32.msk $0xffff, v2  }
0x9a: {  	v18 =	vld [tilespmem:s21+$0xB8]  }
0x9b: {  	v16 =	vld [tilespmem:s25+$0x30]  }
0x9c: {  	[tilespmem:v19+s15+$0x0] =	vst.idx.add.f32.msk $0xffff, v2;
	v19 =	vadd.s32 s24, v20  }
0x9d: {  	v15 =	vadd.s32 s30, v15  }
0x9e: {  	s10 =	sand.u32 $0xFF8, s23;
	[tilespmem:v17+s15+$0x0] =	vst.idx.add.f32.msk $0xffff, v2  }
0x9f: {  	v17 =	vadd.s32 s0, v18;
	v18 =	vld [tilespmem:s10+$0x80]  }
0xa0: {  	v20 =	vld [tilespmem:s21+$0xFFFFFFD8];
	v16 =	vadd.s32 s26, v16  }
0xa1: {  	[tilespmem:v19+s15+$0x0] =	vst.idx.add.f32.msk $0xffff, v2  }
0xa2: {  	[tilespmem:v15+s15+$0x0] =	vst.idx.add.f32.msk $0xffff, v2  }
0xa3: {  	v15 =	vld [tilespmem:s25+$0xFFFFFF68]  }
0xa4: {  	[tilespmem:v17+s15+$0x0] =	vst.idx.add.f32.msk vm0, v2;
	v17 =	vadd.s32 s22, v18  }
0xa5: {  	[tilespmem:v16+s15+$0x0] =	vst.idx.add.f32.msk $0xffff, v2  }
0xa6: {  	v19 =	vadd.s32 s20, v20;
	v20 =	vld [tilespmem:s25+$0x40]  }
0xa7: {  	v18 =	vld [tilespmem:s23+$0xFFFFFFA8]  }
0xa8: {  	v21 =	vadd.s32 s30, v15  }
0xa9: {  	[tilespmem:v17+s15+$0x0] =	vst.idx.add.f32.msk $0xffff, v2  }
0xaa: {  	v16 =	vld [tilespmem:s23+$0x90]  }
0xab: {  	[tilespmem:v19+s15+$0x0] =	vst.idx.add.f32.msk $0xffff, v2  }
0xac: {  	s31 =	simm.s32 $0x80;
	v15 =	vld [tilespmem:s21+$0xFFFFFFE8];
	v17 =	vadd.s32 s24, v18;
	v18 =	vadd.s32 s26, v20  }
0xad: {  	s4 =	simm.s32 $0x4;
	s6 =	simm.s32 $0x578;
	s28 =	simm.s32 $0x0;
	[tilespmem:v21+s15+$0x0] =	vst.idx.add.f32.msk $0xffff, v2  }
0xae: {  	s29 =	simm.s32 $0x44;
	s1 =	simm.s32 $0x258;
	s0 =	simm.s32 $0x0;
	v19 =	vld [tilespmem:s25+$0xFFFFFF78]  }
.LBB2_3:
0xaf: {  	v20 =	vld [tilespmem:s6+$0x0];
	s4 =	sadd.s32 $0x2, s4;
	v16 =	vadd.s32 s22, v16  }
0xb0: {  	v21 =	vld [tilespmem:s6+$0xFFFFFF38];
	p0 =	slt.u32 s4, $0xE  }
0xb1: {  	[tilespmem:v18+s15+$0x0] =	vst.idx.add.f32.msk $0xffff, v2;
	v15 =	vadd.s32 s28, v15  }
0xb2: {  	s30 =	sadd.s32 $0x22, s30;
	v18 =	vld [tilespmem:s25+$0x50]  }
0xb3: {  	s0 =	sadd.s32 $0x190, s0;
	s9 =	sadd.s32 $0x11, s30;
	v19 =	vadd.s32 s29, v19;
	[tilespmem:v17+s15+$0x0] =	vst.idx.add.f32.msk $0xffff, v2  }
0xb4: {  	s31 =	sadd.s32 $0x10, s31;
	s10 =	sand.u32 $0x3FFFFF80, s0;
	v17 =	vadd.s32 s9, v20;
	[tilespmem:v16+s15+$0x0] =	vst.idx.add.f32.msk $0xffff, v2  }
0xb5: {  	s10 =	sadd.s32 s10, s31;
	v16 =	vadd.s32 s30, v21;
	v20 =	vld [tilespmem:s23+$0xA0]  }
0xb6: {  	v21 =	vld [tilespmem:s10+$0x0]  }
0xb7: {  	v18 =	vadd.s32 s26, v18;
	[tilespmem:v15+s15+$0x0] =	vst.idx.add.f32.msk $0xffff, v2  }
0xb8: {  	[tilespmem:v19+s15+$0x0] =	vst.idx.add.f32.msk $0xffff, v2  }
0xb9: {  	[tilespmem:v17+s15+$0x0] =	vst.idx.add.f32.msk $0xffff, v2  }
0xba: {  	v15 =	vld [tilespmem:s6+$0x10];
	v17 =	vadd.s32 s22, v20  }
0xbb: {  	[tilespmem:v16+s15+$0x0] =	vst.idx.add.f32.msk $0xffff, v2;
	v16 =	vadd.s32 s24, v21  }
0xbc: {  	[tilespmem:v18+s15+$0x0] =	vst.idx.add.f32.msk $0xffff, v2  }
0xbd: {  	v18 =	vld [tilespmem:s25+$0x60]  }
0xbe: {  	v19 =	vld [tilespmem:s6+$0xFFFFFF48]  }
0xbf: {  	v15 =	vadd.s32 s9, v15;
	[tilespmem:v17+s15+$0x0] =	vst.idx.add.f32.msk $0xffff, v2  }
0xc0: {  	v17 =	vld [tilespmem:s23+$0xB0]  }
0xc1: {  	v20 =	vld [tilespmem:s25+$0xFFFFFF88]  }
0xc2: {  	v18 =	vadd.s32 s26, v18;
	[tilespmem:v16+s15+$0x0] =	vst.idx.add.f32.msk $0xffff, v2  }
0xc3: {  	v16 =	vadd.s32 s30, v19;
	v19 =	vld [tilespmem:s23+$0xFFFFFFC8]  }
0xc4: {  	[tilespmem:v15+s15+$0x0] =	vst.idx.add.f32.msk $0xffff, v2  }
0xc5: {  	v15 =	vld [tilespmem:s6+$0x20];
	v17 =	vadd.s32 s22, v17  }
0xc6: {  	v20 =	vadd.s32 s29, v20;
	v21 =	vld [tilespmem:s21+$0xFFFFFFF0];
	s21 =	smov.u32 s23;
	s23 =	smov.u32 s25;
	s25 =	smov.u32 s6  }
0xc7: {  	[tilespmem:v18+s15+$0x0] =	vst.idx.add.f32.msk $0xffff, v2  }
0xc8: {  	v18 =	vld [tilespmem:s23+$0x70];
	v19 =	vadd.s32 s24, v19  }
0xc9: {  	[tilespmem:v16+s15+$0x0] =	vst.idx.add.f32.msk $0xffff, v2  }
0xca: {  	v15 =	vadd.s32 s9, v15;
	[tilespmem:v17+s15+$0x0] =	vst.idx.add.f32.msk $0xffff, v2  }
0xcb: {  	v16 =	vld [tilespmem:s21+$0xB8];
	v17 =	vadd.s32 s28, v21;
	s28 =	smov.u32 s24;
	s24 =	smov.u32 s29;
	s29 =	smov.u32 s30  }
0xcc: {  	v21 =	vld [tilespmem:s6+$0xFFFFFF58]  }
0xcd: {  	[tilespmem:v20+s15+$0x0] =	vst.idx.add.f32.msk $0xffff, v2;
	v18 =	vadd.s32 s26, v18  }
0xce: {  	v20 =	vld [tilespmem:s23+$0xFFFFFF98]  }
0xcf: {  	[tilespmem:v15+s15+$0x0] =	vst.idx.add.f32.msk $0xffff, v2  }
0xd0: {  	v15 =	vld [tilespmem:s6+$0x30];
	v16 =	vadd.s32 s22, v16;
	s22 =	smov.u32 s26;
	s26 =	smov.u32 s9  }
0xd1: {  	s1 =	sadd.s32 $0x190, s1;
	v21 =	vadd.s32 s30, v21;
	[tilespmem:v19+s15+$0x0] =	vst.idx.add.f32.msk $0xffff, v2  }
0xd2: {  	s9 =	sand.u32 $0xFF8, s1;
	[tilespmem:v18+s15+$0x0] =	vst.idx.add.f32.msk $0xffff, v2  }
0xd3: {  	v18 =	vadd.s32 s24, v20;
	v19 =	vld [tilespmem:s9+$0x80]  }
0xd4: {  	v20 =	vld [tilespmem:s21+$0xFFFFFFD8]  }
0xd5: {  	v15 =	vadd.s32 s26, v15;
	[tilespmem:v16+s15+$0x0] =	vst.idx.add.f32.msk vm0, v2  }
0xd6: {  	[tilespmem:v21+s15+$0x0] =	vst.idx.add.f32.msk $0xffff, v2  }
0xd7: {  	v16 =	vld [tilespmem:s6+$0xFFFFFF68]  }
0xd8: {  	[tilespmem:v18+s15+$0x0] =	vst.idx.add.f32.msk $0xffff, v2;
	v18 =	vadd.s32 s22, v19  }
0xd9: {  	v19 =	vld [tilespmem:s23+$0xFFFFFFA8];
	v20 =	vadd.s32 s28, v20  }
0xda: {  	[tilespmem:v15+s15+$0x0] =	vst.idx.add.f32.msk $0xffff, v2  }
0xdb: {  	v15 =	vld [tilespmem:s6+$0x40]  }
0xdc: {  	v21 =	vadd.s32 s30, v16;
	[tilespmem:v17+s15+$0x0] =	vst.idx.add.f32.msk vm0, v2  }
0xdd: {  	[tilespmem:v18+s15+$0x0] =	vst.idx.add.f32.msk $0xffff, v2  }
.Ltmp2:
0xde: {  	v17 =	vadd.s32 s24, v19;
	v16 =	vld [tilespmem:s23+$0x90];
	(pc) =	sbr.rel @p0 .LBB2_3-.Ltmp2, $4  }
0xdf: {  	[tilespmem:v20+s15+$0x0] =	vst.idx.add.f32.msk $0xffff, v2  }
0xe0: {  	v18 =	vadd.s32 s26, v15;
	v15 =	vld [tilespmem:s21+$0xFFFFFFE8]  }
0xe1: {  	[tilespmem:v21+s15+$0x0] =	vst.idx.add.f32.msk $0xffff, v2  }
0xe2: {  	s6 =	sadd.s32 $0x190, s6;
	v19 =	vld [tilespmem:s25+$0xFFFFFF78]  }
0xe3: {  	_ =	sdelay $0x3  }
0xe4: {  	v19 =	vadd.s32 s29, v19;
	_ =	sdelay $0x2  }
0xe5: {  	[tilespmem:v18+s15+$0x0] =	vst.idx.add.f32.msk $0xffff, v2  }
0xe6: {  	v18 =	vld [tilespmem:s25+$0x50]  }
0xe7: {  	[tilespmem:v19+s15+$0x0] =	vst.idx.add.f32.msk $0xffff, v2  }
0xe8: {  	v19 =	vld [tilespmem:s25+$0xFFFFFF88];
	_ =	sdelay $0x2  }
0xe9: {  	v18 =	vadd.s32 s26, v18;
	_ =	sdelay $0x1  }
0xea: {  	v19 =	vadd.s32 s29, v19;
	_ =	sdelay $0x2  }
0xeb: {  	[tilespmem:v18+s15+$0x0] =	vst.idx.add.f32.msk $0xffff, v2  }
0xec: {  	v18 =	vld [tilespmem:s25+$0x60]  }
0xed: {  	[tilespmem:v19+s15+$0x0] =	vst.idx.add.f32.msk $0xffff, v2  }
0xee: {  	v19 =	vld [tilespmem:s25+$0xFFFFFF98];
	_ =	sdelay $0x2  }
0xef: {  	v18 =	vadd.s32 s26, v18;
	_ =	sdelay $0x1  }
0xf0: {  	v19 =	vadd.s32 s29, v19;
	_ =	sdelay $0x2  }
0xf1: {  	[tilespmem:v18+s15+$0x0] =	vst.idx.add.f32.msk $0xffff, v2  }
0xf2: {  	v18 =	vld [tilespmem:s25+$0x70]  }
0xf3: {  	[tilespmem:v19+s15+$0x0] =	vst.idx.add.f32.msk $0xffff, v2  }
0xf4: {  	v19 =	vld [tilespmem:s25+$0xFFFFFFA8];
	_ =	sdelay $0x2  }
0xf5: {  	v18 =	vadd.s32 s26, v18  }
0xf6: {  	s0 =	sadd.s32 $0x190, s0  }
0xf7: {  	s6 =	sadd.s32 $0x10, s31;
	s4 =	sand.u32 $0x3FFFFF80, s0;
	v19 =	vadd.s32 s29, v19  }
0xf8: {  	[tilespmem:v17+s15+$0x0] =	vst.idx.add.f32.msk $0xffff, v2;
	s4 =	sadd.s32 s4, s6  }
0xf9: {  	s1 =	sadd.s32 $0x190, s1;
	v17 =	vld [tilespmem:s4+$0x0]  }
0xfa: {  	s1 =	sand.u32 $0xFF8, s1;
	s0 =	sadd.s32 $0x190, s0;
	[tilespmem:v18+s15+$0x0] =	vst.idx.add.f32.msk $0xffff, v2  }
0xfb: {  	s10 =	sadd.s32 $0x10, s6;
	s0 =	sand.u32 $0x3FFFFF80, s0;
	v18 =	vld [tilespmem:s1+$0x80]  }
0xfc: {  	s0 =	sadd.s32 s0, s10;
	[tilespmem:v19+s15+$0x0] =	vst.idx.add.f32.msk $0xffff, v2  }
0xfd: {  	v19 =	vld [tilespmem:s0+$0x0]  }
0xfe: {  	v17 =	vadd.s32 s24, v17;
	_ =	sdelay $0x1  }
0xff: {  	v18 =	vadd.s32 s26, v18;
	_ =	sdelay $0x1  }
0x100: {  	v19 =	vadd.s32 s29, v19  }
0x101: {  	[tilespmem:v17+s15+$0x0] =	vst.idx.add.f32.msk $0xffff, v2  }
0x102: {  	v17 =	vld [tilespmem:s23+$0xFFFFFFC8]  }
0x103: {  	[tilespmem:v18+s15+$0x0] =	vst.idx.add.f32.msk $0xffff, v2  }
0x104: {  	v18 =	vld [tilespmem:s25+$0x90]  }
0x105: {  	v16 =	vadd.s32 s22, v16;
	[tilespmem:v19+s15+$0x0] =	vst.idx.add.f32.msk $0xffff, v2  }
0x106: {  	v19 =	vld [tilespmem:s25+$0xFFFFFFC8]  }
0x107: {  	v17 =	vadd.s32 s24, v17;
	_ =	sdelay $0x1  }
0x108: {  	v18 =	vadd.s32 s26, v18  }
0x109: {  	[tilespmem:v16+s15+$0x0] =	vst.idx.add.f32.msk $0xffff, v2  }
0x10a: {  	v16 =	vld [tilespmem:s23+$0xA0];
	v19 =	vadd.s32 s29, v19  }
0x10b: {  	[tilespmem:v17+s15+$0x0] =	vst.idx.add.f32.msk $0xffff, v2  }
0x10c: {  	v17 =	vld [tilespmem:s23+$0xFFFFFFD8]  }
0x10d: {  	[tilespmem:v18+s15+$0x0] =	vst.idx.add.f32.msk $0xffff, v2  }
0x10e: {  	v18 =	vld [tilespmem:s25+$0xA0]  }
0x10f: {  	v16 =	vadd.s32 s22, v16;
	[tilespmem:v19+s15+$0x0] =	vst.idx.add.f32.msk $0xffff, v2  }
0x110: {  	v19 =	vld [tilespmem:s25+$0xFFFFFFD8]  }
0x111: {  	v17 =	vadd.s32 s24, v17;
	_ =	sdelay $0x1  }
0x112: {  	v18 =	vadd.s32 s26, v18  }
0x113: {  	[tilespmem:v16+s15+$0x0] =	vst.idx.add.f32.msk $0xffff, v2  }
0x114: {  	v16 =	vld [tilespmem:s23+$0xB0];
	v19 =	vadd.s32 s29, v19  }
0x115: {  	[tilespmem:v17+s15+$0x0] =	vst.idx.add.f32.msk $0xffff, v2  }
0x116: {  	v17 =	vld [tilespmem:s23+$0xFFFFFFE8]  }
0x117: {  	v15 =	vadd.s32 s28, v15;
	[tilespmem:v18+s15+$0x0] =	vst.idx.add.f32.msk $0xffff, v2  }
0x118: {  	v18 =	vld [tilespmem:s25+$0xB0]  }
0x119: {  	v16 =	vadd.s32 s22, v16;
	[tilespmem:v19+s15+$0x0] =	vst.idx.add.f32.msk $0xffff, v2  }
0x11a: {  	v19 =	vld [tilespmem:s25+$0xFFFFFFE8]  }
0x11b: {  	v17 =	vadd.s32 s24, v17  }
0x11c: {  	[tilespmem:v15+s15+$0x0] =	vst.idx.add.f32.msk $0xffff, v2  }
0x11d: {  	v15 =	vld [tilespmem:s21+$0xFFFFFFF0];
	v18 =	vadd.s32 s26, v18  }
0x11e: {  	[tilespmem:v16+s15+$0x0] =	vst.idx.add.f32.msk $0xffff, v2  }
0x11f: {  	v16 =	vld [tilespmem:s23+$0xB8];
	v19 =	vadd.s32 s29, v19  }
0x120: {  	[tilespmem:v17+s15+$0x0] =	vst.idx.add.f32.msk $0xffff, v2  }
0x121: {  	v17 =	vld [tilespmem:s23+$0xFFFFFFF0]  }
0x122: {  	[tilespmem:v18+s15+$0x0] =	vst.idx.add.f32.msk $0xffff, v2  }
0x123: {  	v18 =	vld [tilespmem:s25+$0xB8]  }
0x124: {  	[tilespmem:v19+s15+$0x0] =	vst.idx.add.f32.msk $0xffff, v2  }
0x125: {  	v19 =	vld [tilespmem:s25+$0xFFFFFFF0]  }
0x126: {  	v16 =	vadd.s32 s22, v16  }
0x127: {  	v15 =	vadd.s32 s28, v15  }
0x128: {  	v18 =	vadd.s32 s26, v18  }
0x129: {  	v17 =	vadd.s32 s24, v17  }
0x12a: {  	v19 =	vadd.s32 s29, v19  }
0x12b: {  	[tilespmem:v16+s15+$0x0] =	vst.idx.add.f32.msk vm0, v2;
	v16 =	vadd.s32 s20, v4  }
0x12c: {  	[tilespmem:v15+s15+$0x0] =	vst.idx.add.f32.msk vm0, v2;
	v15 =	vadd.s32 s20, v7  }
0x12d: {  	[tilespmem:v18+s15+$0x0] =	vst.idx.add.f32.msk vm0, v2;
	v18 =	vadd.s32 s20, v6  }
0x12e: {  	[tilespmem:v17+s15+$0x0] =	vst.idx.add.f32.msk vm0, v2;
	v17 =	vadd.s32 s20, v0  }
0x12f: {  	[tilespmem:v19+s15+$0x0] =	vst.idx.add.f32.msk vm0, v2  }
0x130: {  	s29 =	simm.s32 $0x1;
	v19 =	vadd.s32 s20, v5;
	v20 =	vld.idx.msk [tilespmem:v16+s15+$0x0], $0xffff  }
0x131: {  	s30 =	simm.s32 $0x4;
	v16 =	vadd.s32 s29, v4;
	v22 =	vld.idx.msk [tilespmem:v15+s11+$0x0], $0xffff  }
0x132: {  	v23 =	vadd.s32 s30, v7;
	v26 =	vld.idx.msk [tilespmem:v18+s11+$0x0], $0xffff  }
0x133: {  	v27 =	vadd.s32 s30, v6;
	v28 =	vld.idx.msk [tilespmem:v17+s11+$0x0], $0xffff  }
0x134: {  	v29 =	vadd.s32 s30, v0  }
0x135: {  	s31 =	simm.s32 $0x2;
	v25 =	vadd.s32 s30, v5;
	s0 =	simm.s32 $0x8;
	v21 =	vld.idx.msk [tilespmem:v19+s11+$0x0], $0xffff  }
0x136: {  	v24 =	vadd.s32 s31, v4;
	v31 =	vadd.s32 s0, v5;
	v17 =	vimm.f32 $0.0e+00;
	v15 =	vld.idx.msk [tilespmem:v16+s15+$0x0], $0xffff  }
0x137: {  	v18 =	vadd.s32 s0, v7;
	v19 =	vadd.s32 s0, v6;
	v30 =	vmul.f32 v22, v20;
	v16 =	vld.idx.msk [tilespmem:v23+s11+$0x0], $0xffff  }
0x138: {  	v32 =	vmul.f32 v26, v20;
	v22 =	vld.idx.msk [tilespmem:v27+s11+$0x0], $0xffff;
	v27 =	vadd.s32 s0, v0;
	v33 =	vmul.f32 v28, v20  }
0x139: {  	s1 =	simm.s32 $0x3;
	v23 =	vld.idx.msk [tilespmem:v29+s11+$0x0], $0xffff;
	v28 =	vimm.f32 $0.0e+00;
	v29 =	vimm.f32 $0.0e+00;
	v26 =	vimm.f32 $0.0e+00  }
.LBB2_5:
0x13a: {  	p0 =	sne.s32 s1, $0xF;
	v34 =	vmul.f32 v21, v20;
	v21 =	vld.idx.msk [tilespmem:v25+s11+$0x0], $0xffff;
	v17 =	vadd.f32 v32, v17;
	v28 =	vadd.f32 v30, v28;
	s4 =	smov.u32 s1;
	s1 =	sadd.s32 $0x1, s1  }
.Ltmp3:
0x13b: {  	v25 =	vmov v31;
	v29 =	vadd.f32 v33, v29;
	(pc) =	sbr.rel @p0 .LBB2_5-.Ltmp3, $4  }
0x13c: {  	v20 =	vmov v15;
	v26 =	vadd.f32 v34, v26;
	v15 =	vld.idx.msk [tilespmem:v24+s15+$0x0], $0xffff  }
0x13d: {  	s0 =	sadd.s32 $0x4, s0;
	v24 =	vadd.s32 s4, v4;
	v30 =	vmul.f32 v16, v20;
	v16 =	vld.idx.msk [tilespmem:v18+s11+$0x0], $0xffff  }
0x13e: {  	v18 =	vadd.s32 s0, v7;
	v32 =	vmul.f32 v22, v20;
	v22 =	vld.idx.msk [tilespmem:v19+s11+$0x0], $0xffff;
	v19 =	vadd.s32 s0, v6  }
0x13f: {  	v31 =	vadd.s32 s0, v5;
	v33 =	vmul.f32 v23, v20;
	v23 =	vld.idx.msk [tilespmem:v27+s11+$0x0], $0xffff;
	v27 =	vadd.s32 s0, v0  }
0x140: {  	_ =	sdelay $0x3  }
0x141: {  	v25 =	vld.idx.msk [tilespmem:v25+s11+$0x0], $0xffff  }
0x142: {  	v24 =	vld.idx.msk [tilespmem:v24+s15+$0x0], $0xffff  }
0x143: {  	v20 =	vmul.f32 v21, v20;
	v17 =	vadd.f32 v32, v17;
	v21 =	vld.idx.msk [tilespmem:v27+s11+$0x0], $0xffff;
	s0 =	sshll.u32 s19, $0x7  }
0x144: {  	v58 =	vadd.f32 v30, v28;
	v60 =	vld.idx.msk [tilespmem:v31+s11+$0x0], $0xffff;
	v59 =	vadd.f32 v33, v29;
	v61 =	vmov s0  }
0x145: {  	v19 =	vld.idx.msk [tilespmem:v19+s11+$0x0], $0xffff;
	v20 =	vadd.f32 v20, v26;
	v62 =	vshrl.u32 v61, $0x7;
	v16 =	vmul.f32 v16, v15  }
0x146: {  	v18 =	vld.idx.msk [tilespmem:v18+s11+$0x0], $0xffff;
	v22 =	vmul.f32 v22, v15;
	v26 =	vshll.u32 v62, $0x7;
	v23 =	vmul.f32 v23, v15  }
0x147: {  	v16 =	vadd.f32 v16, v58;
	v25 =	vmul.f32 v25, v15;
	v15 =	vbroadcast v26, $0x0  }
0x148: {  	v17 =	vadd.f32 v22, v17;
	v21 =	vmul.f32 v21, v24;
	v22 =	vadd.f32 v23, v59  }
0x149: {  	v23 =	vmul.f32 v60, v24;
	v20 =	vadd.f32 v25, v20;
	v63 =	vor.u32 v3, v15  }
0x14a: {  	v19 =	vmul.f32 v19, v24;
	v21 =	vadd.f32 v21, v22;
	v22 =	vor.u32 v8, v15  }
0x14b: {  	v18 =	vmul.f32 v18, v24;
	v20 =	vadd.f32 v23, v20;
	v23 =	vor.u32 v9, v15  }
0x14c: {  	p0 =	seq.s32 s19, $0xF;
	v17 =	vadd.f32 v19, v17;
	v19 =	vmul.f32 $4.999999890e-03, v21;
	v21 =	vor.u32 v10, v15  }
0x14d: {  	s0 =	smul.u32 @!p0 $0x1900, s19;
	v16 =	vadd.f32 v18, v16;
	v18 =	vmul.f32 $4.999999890e-03, v20  }
0x14e: {  	v17 =	vmul.f32 $4.999999890e-03, v17;
	[tilespmem:v63+s16+$0x0] =	vst.idx.msk $0xffff, v19  }
0x14f: {  	s0 =	sadd.s32 @!p0 s0, s7;
	v16 =	vmul.f32 $4.999999890e-03, v16;
	[tilespmem:v22+s16+$0x0] =	vst.idx.msk $0xffff, v18  }
0x150: {  	s0 =	sshrl.u32 @!p0 s0, $0x3;
	[tilespmem:v23+s16+$0x0] =	vst.idx.msk $0xffff, v17  }
0x151: {  	s1 =	simm.s32 @!p0 $0x0;
	s0 =	sadd.s32 @!p0 s3, s0;
	[tilespmem:v21+s16+$0x0] =	vst.idx.msk $0xffff, v16  }
0x152: {  	[tilespmem:s1], [sflag:$0x1] =	stream.linear.gather @!p0 [hbm4b:s0+s1], $0xC80, $0x38;
	[tilespmem:$0x2700] =	vst v63  }
0x153: {  	_ =	swait.ge [sflag:s17], $0xC80  }
0x154: {  	[sflag:s17] =	ssyncset.done $0x0  }
0x155: {  	[sflag:s17] =	ssyncadd.s32 $0xFFFFF380  }
0x156: {  	[tilespmem:$0x1D80] =	vst v1  }
0x157: {  	[tilespmem:$0x1D90] =	vst v1  }
0x158: {  	[tilespmem:$0x1DA0] =	vst v1  }
0x159: {  	[tilespmem:$0x1DB0] =	vst v1  }
0x15a: {  	[tilespmem:$0x1DC0] =	vst v1  }
0x15b: {  	[tilespmem:$0x1DD0] =	vst v1  }
0x15c: {  	[tilespmem:$0x1DE0] =	vst v1  }
0x15d: {  	[tilespmem:$0x1DF0] =	vst v1  }
0x15e: {  	[tilespmem:$0x1E00] =	vst v1  }
0x15f: {  	[tilespmem:$0x1E10] =	vst v1  }
0x160: {  	[tilespmem:$0x1E20] =	vst v1  }
0x161: {  	[tilespmem:$0x1E30] =	vst v1  }
0x162: {  	[tilespmem:$0x1E40] =	vst v1  }
0x163: {  	[tilespmem:$0x1E50] =	vst v1  }
0x164: {  	[tilespmem:$0x1E60] =	vst v1  }
0x165: {  	[tilespmem:$0x1E70] =	vst v1  }
0x166: {  	s21 =	simm.s32 $0xD48;
	[tilespmem:$0x1E80] =	vst v1  }
0x167: {  	v16 =	vld [tilespmem:s21+$0x0];
	_ =	sdelay $0x3  }
0x168: {  	s4 =	simm.s32 $0x11  }
0x169: {  	v16 =	vadd.s32 s4, v16;
	_ =	sdelay $0x4  }
0x16a: {  	[tilespmem:v16+s15+$0x0] =	vst.idx.add.f32.msk $0xffff, v2  }
0x16b: {  	v16 =	vld [tilespmem:s21+$0x10];
	_ =	sdelay $0x4  }
0x16c: {  	v16 =	vadd.s32 s4, v16;
	_ =	sdelay $0x4  }
0x16d: {  	[tilespmem:v16+s15+$0x0] =	vst.idx.add.f32.msk $0xffff, v2  }
0x16e: {  	v16 =	vld [tilespmem:s21+$0x20];
	_ =	sdelay $0x1  }
0x16f: {  	v17 =	vld [tilespmem:s21+$0xFFFFFF38];
	_ =	sdelay $0x2  }
0x170: {  	v16 =	vadd.s32 s4, v16  }
0x171: {  	s20 =	simm.s32 $0x0  }
0x172: {  	v17 =	vadd.s32 s20, v17;
	_ =	sdelay $0x2  }
0x173: {  	[tilespmem:v16+s15+$0x0] =	vst.idx.add.f32.msk $0xffff, v2  }
0x174: {  	v16 =	vld [tilespmem:s21+$0x30]  }
0x175: {  	[tilespmem:v17+s15+$0x0] =	vst.idx.add.f32.msk $0xffff, v2  }
0x176: {  	v17 =	vld [tilespmem:s21+$0xFFFFFF48];
	_ =	sdelay $0x2  }
0x177: {  	v16 =	vadd.s32 s4, v16;
	_ =	sdelay $0x1  }
0x178: {  	v17 =	vadd.s32 s20, v17  }
0x179: {  	s23 =	simm.s32 $0xED8  }
0x17a: {  	v18 =	vld [tilespmem:s23+$0x0]  }
0x17b: {  	[tilespmem:v16+s15+$0x0] =	vst.idx.add.f32.msk $0xffff, v2  }
0x17c: {  	v16 =	vld [tilespmem:s21+$0x40]  }
0x17d: {  	[tilespmem:v17+s15+$0x0] =	vst.idx.add.f32.msk $0xffff, v2  }
0x17e: {  	s22 =	simm.s32 $0x33;
	v17 =	vld [tilespmem:s21+$0xFFFFFF58]  }
0x17f: {  	v18 =	vadd.s32 s22, v18;
	_ =	sdelay $0x1  }
0x180: {  	v16 =	vadd.s32 s4, v16;
	_ =	sdelay $0x1  }
0x181: {  	v17 =	vadd.s32 s20, v17  }
0x182: {  	[tilespmem:v18+s15+$0x0] =	vst.idx.add.f32.msk $0xffff, v2  }
0x183: {  	v18 =	vld [tilespmem:s23+$0x10]  }
0x184: {  	[tilespmem:v16+s15+$0x0] =	vst.idx.add.f32.msk $0xffff, v2  }
0x185: {  	v16 =	vld [tilespmem:s21+$0x50]  }
0x186: {  	[tilespmem:v17+s15+$0x0] =	vst.idx.add.f32.msk $0xffff, v2  }
0x187: {  	v17 =	vld [tilespmem:s21+$0xFFFFFF68]  }
0x188: {  	v18 =	vadd.s32 s22, v18;
	_ =	sdelay $0x1  }
0x189: {  	v16 =	vadd.s32 s4, v16;
	_ =	sdelay $0x1  }
0x18a: {  	v19 =	vld [tilespmem:s23+$0xFFFFFF38];
	v17 =	vadd.s32 s20, v17  }
0x18b: {  	[tilespmem:v18+s15+$0x0] =	vst.idx.add.f32.msk $0xffff, v2  }
0x18c: {  	v18 =	vld [tilespmem:s23+$0x20]  }
0x18d: {  	[tilespmem:v16+s15+$0x0] =	vst.idx.add.f32.msk $0xffff, v2  }
0x18e: {  	s24 =	simm.s32 $0x22;
	v16 =	vld [tilespmem:s21+$0x60]  }
0x18f: {  	v19 =	vadd.s32 s24, v19;
	[tilespmem:v17+s15+$0x0] =	vst.idx.add.f32.msk $0xffff, v2  }
0x190: {  	v17 =	vld [tilespmem:s21+$0xFFFFFF78]  }
0x191: {  	v18 =	vadd.s32 s22, v18;
	_ =	sdelay $0x1  }
0x192: {  	v16 =	vadd.s32 s4, v16  }
0x193: {  	[tilespmem:v19+s15+$0x0] =	vst.idx.add.f32.msk $0xffff, v2  }
0x194: {  	v19 =	vld [tilespmem:s23+$0xFFFFFF48];
	v17 =	vadd.s32 s20, v17  }
0x195: {  	[tilespmem:v18+s15+$0x0] =	vst.idx.add.f32.msk $0xffff, v2  }
0x196: {  	v18 =	vld [tilespmem:s23+$0x30]  }
0x197: {  	[tilespmem:v16+s15+$0x0] =	vst.idx.add.f32.msk $0xffff, v2  }
0x198: {  	v16 =	vld [tilespmem:s21+$0x70]  }
0x199: {  	v19 =	vadd.s32 s24, v19;
	[tilespmem:v17+s15+$0x0] =	vst.idx.add.f32.msk $0xffff, v2  }
0x19a: {  	v17 =	vld [tilespmem:s21+$0xFFFFFF88]  }
0x19b: {  	v18 =	vadd.s32 s22, v18;
	_ =	sdelay $0x1  }
0x19c: {  	v16 =	vadd.s32 s4, v16  }
0x19d: {  	[tilespmem:v19+s15+$0x0] =	vst.idx.add.f32.msk $0xffff, v2  }
0x19e: {  	v19 =	vld [tilespmem:s23+$0xFFFFFF58];
	v17 =	vadd.s32 s20, v17  }
0x19f: {  	[tilespmem:v18+s15+$0x0] =	vst.idx.add.f32.msk $0xffff, v2  }
0x1a0: {  	s6 =	simm.s32 $0xC8;
	v18 =	vld [tilespmem:s23+$0x40]  }
0x1a1: {  	s1 =	sand.u32 $0xFF8, s6;
	[tilespmem:v16+s15+$0x0] =	vst.idx.add.f32.msk $0xffff, v2  }
0x1a2: {  	v16 =	vld [tilespmem:s1+$0xD00]  }
0x1a3: {  	v19 =	vadd.s32 s24, v19;
	[tilespmem:v17+s15+$0x0] =	vst.idx.add.f32.msk $0xffff, v2  }
0x1a4: {  	v17 =	vld [tilespmem:s21+$0xFFFFFF98]  }
0x1a5: {  	v18 =	vadd.s32 s22, v18  }
0x1a6: {  	s25 =	simm.s32 $0x1068  }
0x1a7: {  	v20 =	vld [tilespmem:s25+$0x0];
	v16 =	vadd.s32 s4, v16  }
0x1a8: {  	[tilespmem:v19+s15+$0x0] =	vst.idx.add.f32.msk $0xffff, v2  }
0x1a9: {  	v19 =	vld [tilespmem:s23+$0xFFFFFF68];
	v17 =	vadd.s32 s20, v17  }
0x1aa: {  	[tilespmem:v18+s15+$0x0] =	vst.idx.add.f32.msk $0xffff, v2  }
0x1ab: {  	s26 =	simm.s32 $0x55;
	v18 =	vld [tilespmem:s23+$0x50]  }
0x1ac: {  	v20 =	vadd.s32 s26, v20;
	[tilespmem:v16+s15+$0x0] =	vst.idx.add.f32.msk $0xffff, v2  }
0x1ad: {  	v16 =	vld [tilespmem:s21+$0x90]  }
0x1ae: {  	v19 =	vadd.s32 s24, v19;
	[tilespmem:v17+s15+$0x0] =	vst.idx.add.f32.msk $0xffff, v2  }
0x1af: {  	v17 =	vld [tilespmem:s21+$0xFFFFFFA8];
	_ =	sdelay $0x1  }
0x1b0: {  	[tilespmem:v20+s15+$0x0] =	vst.idx.add.f32.msk $0xffff, v2;
	v18 =	vadd.s32 s22, v18  }
0x1b1: {  	v20 =	vld [tilespmem:s25+$0x10];
	v16 =	vadd.s32 s4, v16  }
0x1b2: {  	[tilespmem:v19+s15+$0x0] =	vst.idx.add.f32.msk $0xffff, v2  }
0x1b3: {  	v21 =	vld [tilespmem:s23+$0xFFFFFF78];
	v17 =	vadd.s32 s20, v17  }
0x1b4: {  	v19 =	vld [tilespmem:s25+$0xFFFFFF38]  }
0x1b5: {  	[tilespmem:v18+s15+$0x0] =	vst.idx.add.f32.msk $0xffff, v2  }
0x1b6: {  	[tilespmem:v16+s15+$0x0] =	vst.idx.add.f32.msk $0xffff, v2  }
0x1b7: {  	s9 =	sand.u32 $0x3FFFFF80, s20;
	v20 =	vadd.s32 s26, v20;
	v16 =	vld [tilespmem:s21+$0xA0]  }
0x1b8: {  	s30 =	simm.s32 $0x44;
	v18 =	vadd.s32 s24, v21;
	[tilespmem:v17+s15+$0x0] =	vst.idx.add.f32.msk $0xffff, v2;
	s1 =	sadd.s32 $0xD00, s9  }
0x1b9: {  	v17 =	vadd.s32 s30, v19;
	v19 =	vld [tilespmem:s1+$0x0];
	_ =	sdelay $0x1  }
0x1ba: {  	v21 =	vld [tilespmem:s23+$0x60]  }
0x1bb: {  	[tilespmem:v20+s15+$0x0] =	vst.idx.add.f32.msk $0xffff, v2;
	v16 =	vadd.s32 s4, v16  }
0x1bc: {  	[tilespmem:v18+s15+$0x0] =	vst.idx.add.f32.msk $0xffff, v2  }
0x1bd: {  	[tilespmem:v17+s15+$0x0] =	vst.idx.add.f32.msk $0xffff, v2;
	v17 =	vadd.s32 s20, v19  }
0x1be: {  	v19 =	vld [tilespmem:s25+$0xFFFFFF48]  }
0x1bf: {  	v18 =	vadd.s32 s22, v21;
	v21 =	vld [tilespmem:s23+$0xFFFFFF88]  }
0x1c0: {  	[tilespmem:v16+s15+$0x0] =	vst.idx.add.f32.msk $0xffff, v2  }
0x1c1: {  	v16 =	vld [tilespmem:s21+$0xB0]  }
0x1c2: {  	[tilespmem:v17+s15+$0x0] =	vst.idx.add.f32.msk $0xffff, v2  }
0x1c3: {  	v17 =	vadd.s32 s30, v19;
	v19 =	vld [tilespmem:s25+$0x20]  }
0x1c4: {  	v21 =	vadd.s32 s24, v21  }
0x1c5: {  	[tilespmem:v18+s15+$0x0] =	vst.idx.add.f32.msk $0xffff, v2  }
0x1c6: {  	v20 =	vld [tilespmem:s21+$0xFFFFFFC8];
	v16 =	vadd.s32 s4, v16  }
0x1c7: {  	v18 =	vld [tilespmem:s23+$0x70]  }
0x1c8: {  	[tilespmem:v17+s15+$0x0] =	vst.idx.add.f32.msk $0xffff, v2;
	v17 =	vadd.s32 s26, v19  }
0x1c9: {  	[tilespmem:v21+s15+$0x0] =	vst.idx.add.f32.msk $0xffff, v2  }
0x1ca: {  	v21 =	vld [tilespmem:s23+$0xFFFFFF98]  }
0x1cb: {  	v20 =	vadd.s32 s20, v20;
	[tilespmem:v16+s15+$0x0] =	vst.idx.add.f32.msk $0xffff, v2  }
0x1cc: {  	v16 =	vld [tilespmem:s25+$0xFFFFFF58]  }
0x1cd: {  	v18 =	vadd.s32 s22, v18;
	[tilespmem:v17+s15+$0x0] =	vst.idx.add.f32.msk $0xffff, v2  }
0x1ce: {  	v19 =	vld [tilespmem:s21+$0xB8]  }
0x1cf: {  	v17 =	vld [tilespmem:s25+$0x30]  }
0x1d0: {  	[tilespmem:v20+s15+$0x0] =	vst.idx.add.f32.msk $0xffff, v2;
	v20 =	vadd.s32 s24, v21  }
0x1d1: {  	s31 =	simm.s32 $0x258;
	v16 =	vadd.s32 s30, v16  }
0x1d2: {  	s10 =	sand.u32 $0xFF8, s31;
	[tilespmem:v18+s15+$0x0] =	vst.idx.add.f32.msk $0xffff, v2  }
0x1d3: {  	v18 =	vadd.s32 s4, v19;
	v19 =	vld [tilespmem:s10+$0xD00]  }
0x1d4: {  	v21 =	vld [tilespmem:s21+$0xFFFFFFD8];
	v17 =	vadd.s32 s26, v17  }
0x1d5: {  	[tilespmem:v20+s15+$0x0] =	vst.idx.add.f32.msk $0xffff, v2  }
0x1d6: {  	[tilespmem:v16+s15+$0x0] =	vst.idx.add.f32.msk $0xffff, v2  }
0x1d7: {  	v16 =	vld [tilespmem:s25+$0xFFFFFF68]  }
0x1d8: {  	[tilespmem:v18+s15+$0x0] =	vst.idx.add.f32.msk vm0, v2;
	v18 =	vadd.s32 s22, v19  }
0x1d9: {  	[tilespmem:v17+s15+$0x0] =	vst.idx.add.f32.msk $0xffff, v2  }
0x1da: {  	v20 =	vadd.s32 s20, v21;
	v21 =	vld [tilespmem:s25+$0x40]  }
0x1db: {  	v19 =	vld [tilespmem:s23+$0xFFFFFFA8]  }
0x1dc: {  	v22 =	vadd.s32 s30, v16  }
0x1dd: {  	[tilespmem:v18+s15+$0x0] =	vst.idx.add.f32.msk $0xffff, v2  }
0x1de: {  	v17 =	vld [tilespmem:s23+$0x90]  }
0x1df: {  	[tilespmem:v20+s15+$0x0] =	vst.idx.add.f32.msk $0xffff, v2  }
0x1e0: {  	v16 =	vld [tilespmem:s21+$0xFFFFFFE8];
	v18 =	vadd.s32 s24, v19;
	v19 =	vadd.s32 s26, v21  }
0x1e1: {  	s29 =	simm.s32 $0x0;
	s28 =	simm.s32 $0x44;
	s6 =	simm.s32 $0x11F8;
	[tilespmem:v22+s15+$0x0] =	vst.idx.add.f32.msk $0xffff, v2  }
0x1e2: {  	s0 =	simm.s32 $0x0;
	s1 =	simm.s32 $0xD00;
	s4 =	simm.s32 $0x4;
	v20 =	vld [tilespmem:s25+$0xFFFFFF78]  }
.LBB2_7:
0x1e3: {  	v21 =	vld [tilespmem:s6+$0x0];
	s4 =	sadd.s32 $0x2, s4;
	v17 =	vadd.s32 s22, v17  }
0x1e4: {  	v22 =	vld [tilespmem:s6+$0xFFFFFF38];
	p1 =	slt.u32 s4, $0xE  }
0x1e5: {  	[tilespmem:v19+s15+$0x0] =	vst.idx.add.f32.msk $0xffff, v2;
	v16 =	vadd.s32 s29, v16  }
0x1e6: {  	s30 =	sadd.s32 $0x22, s30;
	v19 =	vld [tilespmem:s25+$0x50]  }
0x1e7: {  	s0 =	sadd.s32 $0x190, s0;
	s9 =	sadd.s32 $0x11, s30;
	v20 =	vadd.s32 s28, v20;
	[tilespmem:v18+s15+$0x0] =	vst.idx.add.f32.msk $0xffff, v2  }
0x1e8: {  	s1 =	sadd.s32 $0x10, s1;
	s10 =	sand.u32 $0x3FFFFF80, s0;
	v18 =	vadd.s32 s9, v21;
	[tilespmem:v17+s15+$0x0] =	vst.idx.add.f32.msk $0xffff, v2  }
0x1e9: {  	s10 =	sadd.s32 s10, s1;
	v17 =	vadd.s32 s30, v22;
	v21 =	vld [tilespmem:s23+$0xA0]  }
0x1ea: {  	v22 =	vld [tilespmem:s10+$0x0]  }
0x1eb: {  	v19 =	vadd.s32 s26, v19;
	[tilespmem:v16+s15+$0x0] =	vst.idx.add.f32.msk $0xffff, v2  }
0x1ec: {  	[tilespmem:v20+s15+$0x0] =	vst.idx.add.f32.msk $0xffff, v2  }
0x1ed: {  	[tilespmem:v18+s15+$0x0] =	vst.idx.add.f32.msk $0xffff, v2  }
0x1ee: {  	v16 =	vld [tilespmem:s6+$0x10];
	v18 =	vadd.s32 s22, v21  }
0x1ef: {  	[tilespmem:v17+s15+$0x0] =	vst.idx.add.f32.msk $0xffff, v2;
	v17 =	vadd.s32 s24, v22  }
0x1f0: {  	[tilespmem:v19+s15+$0x0] =	vst.idx.add.f32.msk $0xffff, v2  }
0x1f1: {  	v19 =	vld [tilespmem:s25+$0x60]  }
0x1f2: {  	v20 =	vld [tilespmem:s6+$0xFFFFFF48]  }
0x1f3: {  	v16 =	vadd.s32 s9, v16;
	[tilespmem:v18+s15+$0x0] =	vst.idx.add.f32.msk $0xffff, v2  }
0x1f4: {  	v18 =	vld [tilespmem:s23+$0xB0]  }
0x1f5: {  	v21 =	vld [tilespmem:s25+$0xFFFFFF88]  }
0x1f6: {  	v19 =	vadd.s32 s26, v19;
	[tilespmem:v17+s15+$0x0] =	vst.idx.add.f32.msk $0xffff, v2  }
0x1f7: {  	v17 =	vadd.s32 s30, v20;
	v20 =	vld [tilespmem:s23+$0xFFFFFFC8]  }
0x1f8: {  	[tilespmem:v16+s15+$0x0] =	vst.idx.add.f32.msk $0xffff, v2  }
0x1f9: {  	v16 =	vld [tilespmem:s6+$0x20];
	v18 =	vadd.s32 s22, v18  }
0x1fa: {  	v21 =	vadd.s32 s28, v21;
	v22 =	vld [tilespmem:s21+$0xFFFFFFF0];
	s21 =	smov.u32 s23;
	s23 =	smov.u32 s25;
	s25 =	smov.u32 s6  }
0x1fb: {  	[tilespmem:v19+s15+$0x0] =	vst.idx.add.f32.msk $0xffff, v2  }
0x1fc: {  	v19 =	vld [tilespmem:s23+$0x70];
	v20 =	vadd.s32 s24, v20  }
0x1fd: {  	[tilespmem:v17+s15+$0x0] =	vst.idx.add.f32.msk $0xffff, v2  }
0x1fe: {  	v16 =	vadd.s32 s9, v16;
	[tilespmem:v18+s15+$0x0] =	vst.idx.add.f32.msk $0xffff, v2  }
0x1ff: {  	v17 =	vld [tilespmem:s21+$0xB8];
	v18 =	vadd.s32 s29, v22;
	s29 =	smov.u32 s24;
	s24 =	smov.u32 s28;
	s28 =	smov.u32 s30  }
0x200: {  	v22 =	vld [tilespmem:s6+$0xFFFFFF58]  }
0x201: {  	[tilespmem:v21+s15+$0x0] =	vst.idx.add.f32.msk $0xffff, v2;
	v19 =	vadd.s32 s26, v19  }
0x202: {  	v21 =	vld [tilespmem:s23+$0xFFFFFF98]  }
0x203: {  	[tilespmem:v16+s15+$0x0] =	vst.idx.add.f32.msk $0xffff, v2  }
0x204: {  	v16 =	vld [tilespmem:s6+$0x30];
	v17 =	vadd.s32 s22, v17;
	s22 =	smov.u32 s26;
	s26 =	smov.u32 s9  }
0x205: {  	s31 =	sadd.s32 $0x190, s31;
	v22 =	vadd.s32 s30, v22;
	[tilespmem:v20+s15+$0x0] =	vst.idx.add.f32.msk $0xffff, v2  }
0x206: {  	s9 =	sand.u32 $0xFF8, s31;
	[tilespmem:v19+s15+$0x0] =	vst.idx.add.f32.msk $0xffff, v2  }
0x207: {  	v19 =	vadd.s32 s24, v21;
	v20 =	vld [tilespmem:s9+$0xD00]  }
0x208: {  	v21 =	vld [tilespmem:s21+$0xFFFFFFD8]  }
0x209: {  	v16 =	vadd.s32 s26, v16;
	[tilespmem:v17+s15+$0x0] =	vst.idx.add.f32.msk vm0, v2  }
0x20a: {  	[tilespmem:v22+s15+$0x0] =	vst.idx.add.f32.msk $0xffff, v2  }
0x20b: {  	v17 =	vld [tilespmem:s6+$0xFFFFFF68]  }
0x20c: {  	[tilespmem:v19+s15+$0x0] =	vst.idx.add.f32.msk $0xffff, v2;
	v19 =	vadd.s32 s22, v20  }
0x20d: {  	v20 =	vld [tilespmem:s23+$0xFFFFFFA8];
	v21 =	vadd.s32 s29, v21  }
0x20e: {  	[tilespmem:v16+s15+$0x0] =	vst.idx.add.f32.msk $0xffff, v2  }
0x20f: {  	v16 =	vld [tilespmem:s6+$0x40]  }
0x210: {  	v22 =	vadd.s32 s30, v17;
	[tilespmem:v18+s15+$0x0] =	vst.idx.add.f32.msk vm0, v2  }
0x211: {  	[tilespmem:v19+s15+$0x0] =	vst.idx.add.f32.msk $0xffff, v2  }
.Ltmp4:
0x212: {  	v18 =	vadd.s32 s24, v20;
	v17 =	vld [tilespmem:s23+$0x90];
	(pc) =	sbr.rel @p1 .LBB2_7-.Ltmp4, $4  }
0x213: {  	[tilespmem:v21+s15+$0x0] =	vst.idx.add.f32.msk $0xffff, v2  }
0x214: {  	v19 =	vadd.s32 s26, v16;
	v16 =	vld [tilespmem:s21+$0xFFFFFFE8]  }
0x215: {  	[tilespmem:v22+s15+$0x0] =	vst.idx.add.f32.msk $0xffff, v2  }
0x216: {  	s6 =	sadd.s32 $0x190, s6;
	v20 =	vld [tilespmem:s25+$0xFFFFFF78]  }
0x217: {  	_ =	sdelay $0x3  }
0x218: {  	v20 =	vadd.s32 s28, v20;
	_ =	sdelay $0x2  }
0x219: {  	[tilespmem:v19+s15+$0x0] =	vst.idx.add.f32.msk $0xffff, v2  }
0x21a: {  	v19 =	vld [tilespmem:s25+$0x50]  }
0x21b: {  	[tilespmem:v20+s15+$0x0] =	vst.idx.add.f32.msk $0xffff, v2  }
0x21c: {  	v20 =	vld [tilespmem:s25+$0xFFFFFF88];
	_ =	sdelay $0x2  }
0x21d: {  	v19 =	vadd.s32 s26, v19;
	_ =	sdelay $0x1  }
0x21e: {  	v20 =	vadd.s32 s28, v20;
	_ =	sdelay $0x2  }
0x21f: {  	[tilespmem:v19+s15+$0x0] =	vst.idx.add.f32.msk $0xffff, v2  }
0x220: {  	v19 =	vld [tilespmem:s25+$0x60]  }
0x221: {  	[tilespmem:v20+s15+$0x0] =	vst.idx.add.f32.msk $0xffff, v2  }
0x222: {  	v20 =	vld [tilespmem:s25+$0xFFFFFF98];
	_ =	sdelay $0x2  }
0x223: {  	v19 =	vadd.s32 s26, v19;
	_ =	sdelay $0x1  }
0x224: {  	v20 =	vadd.s32 s28, v20;
	_ =	sdelay $0x2  }
0x225: {  	[tilespmem:v19+s15+$0x0] =	vst.idx.add.f32.msk $0xffff, v2  }
0x226: {  	v19 =	vld [tilespmem:s25+$0x70]  }
0x227: {  	[tilespmem:v20+s15+$0x0] =	vst.idx.add.f32.msk $0xffff, v2  }
0x228: {  	v20 =	vld [tilespmem:s25+$0xFFFFFFA8];
	_ =	sdelay $0x2  }
0x229: {  	v19 =	vadd.s32 s26, v19  }
0x22a: {  	s0 =	sadd.s32 $0x190, s0  }
0x22b: {  	s1 =	sadd.s32 $0x10, s1;
	s4 =	sand.u32 $0x3FFFFF80, s0;
	v20 =	vadd.s32 s28, v20  }
0x22c: {  	[tilespmem:v18+s15+$0x0] =	vst.idx.add.f32.msk $0xffff, v2;
	s4 =	sadd.s32 s4, s1  }
0x22d: {  	s10 =	sadd.s32 $0x190, s31;
	v18 =	vld [tilespmem:s4+$0x0]  }
0x22e: {  	s0 =	sadd.s32 $0x190, s0;
	s4 =	sand.u32 $0xFF8, s10;
	[tilespmem:v19+s15+$0x0] =	vst.idx.add.f32.msk $0xffff, v2  }
0x22f: {  	s0 =	sand.u32 $0x3FFFFF80, s0;
	s1 =	sadd.s32 $0x10, s1;
	v19 =	vld [tilespmem:s4+$0xD00]  }
0x230: {  	s0 =	sadd.s32 s0, s1;
	[tilespmem:v20+s15+$0x0] =	vst.idx.add.f32.msk $0xffff, v2  }
0x231: {  	v20 =	vld [tilespmem:s0+$0x0]  }
0x232: {  	v18 =	vadd.s32 s24, v18;
	_ =	sdelay $0x1  }
0x233: {  	v19 =	vadd.s32 s26, v19;
	_ =	sdelay $0x1  }
0x234: {  	v20 =	vadd.s32 s28, v20  }
0x235: {  	[tilespmem:v18+s15+$0x0] =	vst.idx.add.f32.msk $0xffff, v2  }
0x236: {  	v18 =	vld [tilespmem:s23+$0xFFFFFFC8]  }
0x237: {  	[tilespmem:v19+s15+$0x0] =	vst.idx.add.f32.msk $0xffff, v2  }
0x238: {  	v19 =	vld [tilespmem:s25+$0x90]  }
0x239: {  	v17 =	vadd.s32 s22, v17;
	[tilespmem:v20+s15+$0x0] =	vst.idx.add.f32.msk $0xffff, v2  }
0x23a: {  	v20 =	vld [tilespmem:s25+$0xFFFFFFC8]  }
0x23b: {  	v18 =	vadd.s32 s24, v18;
	_ =	sdelay $0x1  }
0x23c: {  	v19 =	vadd.s32 s26, v19  }
0x23d: {  	[tilespmem:v17+s15+$0x0] =	vst.idx.add.f32.msk $0xffff, v2  }
0x23e: {  	v17 =	vld [tilespmem:s23+$0xA0];
	v20 =	vadd.s32 s28, v20  }
0x23f: {  	[tilespmem:v18+s15+$0x0] =	vst.idx.add.f32.msk $0xffff, v2  }
0x240: {  	v18 =	vld [tilespmem:s23+$0xFFFFFFD8]  }
0x241: {  	[tilespmem:v19+s15+$0x0] =	vst.idx.add.f32.msk $0xffff, v2  }
0x242: {  	v19 =	vld [tilespmem:s25+$0xA0]  }
0x243: {  	v17 =	vadd.s32 s22, v17;
	[tilespmem:v20+s15+$0x0] =	vst.idx.add.f32.msk $0xffff, v2  }
0x244: {  	v20 =	vld [tilespmem:s25+$0xFFFFFFD8]  }
0x245: {  	v18 =	vadd.s32 s24, v18;
	_ =	sdelay $0x1  }
0x246: {  	v19 =	vadd.s32 s26, v19  }
0x247: {  	[tilespmem:v17+s15+$0x0] =	vst.idx.add.f32.msk $0xffff, v2  }
0x248: {  	v17 =	vld [tilespmem:s23+$0xB0];
	v20 =	vadd.s32 s28, v20  }
0x249: {  	[tilespmem:v18+s15+$0x0] =	vst.idx.add.f32.msk $0xffff, v2  }
0x24a: {  	v18 =	vld [tilespmem:s23+$0xFFFFFFE8]  }
0x24b: {  	v16 =	vadd.s32 s29, v16;
	[tilespmem:v19+s15+$0x0] =	vst.idx.add.f32.msk $0xffff, v2  }
0x24c: {  	v19 =	vld [tilespmem:s25+$0xB0]  }
0x24d: {  	v17 =	vadd.s32 s22, v17;
	[tilespmem:v20+s15+$0x0] =	vst.idx.add.f32.msk $0xffff, v2  }
0x24e: {  	v20 =	vld [tilespmem:s25+$0xFFFFFFE8]  }
0x24f: {  	v18 =	vadd.s32 s24, v18  }
0x250: {  	[tilespmem:v16+s15+$0x0] =	vst.idx.add.f32.msk $0xffff, v2  }
0x251: {  	v16 =	vld [tilespmem:s21+$0xFFFFFFF0];
	v19 =	vadd.s32 s26, v19  }
0x252: {  	[tilespmem:v17+s15+$0x0] =	vst.idx.add.f32.msk $0xffff, v2  }
0x253: {  	v17 =	vld [tilespmem:s23+$0xB8];
	v20 =	vadd.s32 s28, v20  }
0x254: {  	[tilespmem:v18+s15+$0x0] =	vst.idx.add.f32.msk $0xffff, v2  }
0x255: {  	v18 =	vld [tilespmem:s23+$0xFFFFFFF0]  }
0x256: {  	[tilespmem:v19+s15+$0x0] =	vst.idx.add.f32.msk $0xffff, v2  }
0x257: {  	v19 =	vld [tilespmem:s25+$0xB8]  }
0x258: {  	[tilespmem:v20+s15+$0x0] =	vst.idx.add.f32.msk $0xffff, v2  }
0x259: {  	v20 =	vld [tilespmem:s25+$0xFFFFFFF0]  }
0x25a: {  	v17 =	vadd.s32 s22, v17  }
0x25b: {  	v16 =	vadd.s32 s29, v16  }
0x25c: {  	v18 =	vadd.s32 s24, v18  }
0x25d: {  	v19 =	vadd.s32 s26, v19  }
0x25e: {  	v20 =	vadd.s32 s28, v20  }
0x25f: {  	[tilespmem:v17+s15+$0x0] =	vst.idx.add.f32.msk vm0, v2;
	v17 =	vadd.s32 s20, v4  }
0x260: {  	[tilespmem:v16+s15+$0x0] =	vst.idx.add.f32.msk vm0, v2;
	v16 =	vadd.s32 s20, v7  }
0x261: {  	v21 =	vadd.s32 s20, v6;
	[tilespmem:v18+s15+$0x0] =	vst.idx.add.f32.msk vm0, v2  }
0x262: {  	v18 =	vadd.s32 s20, v0;
	[tilespmem:v19+s15+$0x0] =	vst.idx.add.f32.msk vm0, v2  }
0x263: {  	[tilespmem:v20+s15+$0x0] =	vst.idx.add.f32.msk vm0, v2  }
0x264: {  	s29 =	simm.s32 $0x1;
	v20 =	vadd.s32 s20, v5;
	v19 =	vld.idx.msk [tilespmem:v17+s15+$0x0], $0xffff  }
0x265: {  	s30 =	simm.s32 $0x4;
	v22 =	vadd.s32 s29, v4;
	v23 =	vld.idx.msk [tilespmem:v16+s11+$0x0], $0xffff  }
0x266: {  	v25 =	vadd.s32 s30, v7;
	v26 =	vld.idx.msk [tilespmem:v21+s11+$0x0], $0xffff  }
0x267: {  	v35 =	vadd.s32 s30, v0;
	v29 =	vld.idx.msk [tilespmem:v18+s11+$0x0], $0xffff  }
0x268: {  	v28 =	vadd.s32 s30, v6  }
0x269: {  	s31 =	simm.s32 $0x2;
	v27 =	vadd.s32 s30, v5;
	s0 =	simm.s32 $0x8;
	v20 =	vld.idx.msk [tilespmem:v20+s11+$0x0], $0xffff  }
0x26a: {  	v24 =	vadd.s32 s31, v4;
	v30 =	vadd.s32 s0, v0;
	v34 =	vadd.s32 s0, v5;
	v16 =	vld.idx.msk [tilespmem:v22+s15+$0x0], $0xffff  }
0x26b: {  	v17 =	vimm.f32 $0.0e+00;
	v18 =	vld.idx.msk [tilespmem:v25+s11+$0x0], $0xffff;
	v22 =	vadd.s32 s0, v6;
	v31 =	vmul.f32 v23, v19  }
0x26c: {  	v21 =	vadd.s32 s0, v7;
	v25 =	vld.idx.msk [tilespmem:v35+s11+$0x0], $0xffff;
	v32 =	vmul.f32 v26, v19;
	v33 =	vmul.f32 v29, v19  }
0x26d: {  	s1 =	simm.s32 $0x3;
	v23 =	vld.idx.msk [tilespmem:v28+s11+$0x0], $0xffff;
	v29 =	vimm.f32 $0.0e+00;
	v28 =	vimm.f32 $0.0e+00;
	v26 =	vimm.f32 $0.0e+00  }
.LBB2_9:
0x26e: {  	p1 =	sne.s32 s1, $0xF;
	v35 =	vmul.f32 v20, v19;
	v20 =	vld.idx.msk [tilespmem:v27+s11+$0x0], $0xffff;
	v17 =	vadd.f32 v32, v17;
	v29 =	vadd.f32 v31, v29;
	s4 =	smov.u32 s1;
	s1 =	sadd.s32 $0x1, s1  }
.Ltmp5:
0x26f: {  	v27 =	vmov v34;
	v28 =	vadd.f32 v33, v28;
	(pc) =	sbr.rel @p1 .LBB2_9-.Ltmp5, $4  }
0x270: {  	v19 =	vmov v16;
	v26 =	vadd.f32 v35, v26;
	v16 =	vld.idx.msk [tilespmem:v24+s15+$0x0], $0xffff  }
0x271: {  	s0 =	sadd.s32 $0x4, s0;
	v24 =	vadd.s32 s4, v4;
	v31 =	vmul.f32 v18, v19;
	v18 =	vld.idx.msk [tilespmem:v21+s11+$0x0], $0xffff  }
0x272: {  	v21 =	vadd.s32 s0, v7;
	v32 =	vmul.f32 v23, v19;
	v23 =	vld.idx.msk [tilespmem:v22+s11+$0x0], $0xffff;
	v22 =	vadd.s32 s0, v6  }
0x273: {  	v34 =	vadd.s32 s0, v5;
	v33 =	vmul.f32 v25, v19;
	v25 =	vld.idx.msk [tilespmem:v30+s11+$0x0], $0xffff;
	v30 =	vadd.s32 s0, v0  }
0x274: {  	_ =	sdelay $0x3  }
0x275: {  	v27 =	vld.idx.msk [tilespmem:v27+s11+$0x0], $0xffff  }
0x276: {  	v24 =	vld.idx.msk [tilespmem:v24+s15+$0x0], $0xffff  }
0x277: {  	v30 =	vld.idx.msk [tilespmem:v30+s11+$0x0], $0xffff  }
0x278: {  	v19 =	vmul.f32 v20, v19;
	v54 =	vld.idx.msk [tilespmem:v34+s11+$0x0], $0xffff  }
0x279: {  	v17 =	vadd.f32 v32, v17;
	v29 =	vadd.f32 v31, v29;
	v22 =	vld.idx.msk [tilespmem:v22+s11+$0x0], $0xffff;
	v59 =	vor.u32 v11, v15  }
0x27a: {  	v21 =	vld.idx.msk [tilespmem:v21+s11+$0x0], $0xffff;
	v60 =	vor.u32 v12, v15;
	v28 =	vadd.f32 v33, v28;
	v25 =	vmul.f32 v25, v16  }
0x27b: {  	v61 =	vor.u32 v13, v15;
	v19 =	vadd.f32 v19, v26;
	v55 =	vmul.f32 v27, v16  }
0x27c: {  	v23 =	vmul.f32 v23, v16;
	v57 =	vmul.f32 v30, v24;
	v56 =	vadd.f32 v25, v28  }
0x27d: {  	v18 =	vmul.f32 v18, v16;
	v58 =	vmul.f32 v54, v24;
	v16 =	vadd.f32 v55, v19  }
0x27e: {  	v17 =	vadd.f32 v23, v17;
	v22 =	vmul.f32 v22, v24;
	v23 =	vadd.f32 v57, v56  }
0x27f: {  	v18 =	vadd.f32 v18, v29;
	v21 =	vmul.f32 v21, v24;
	v16 =	vadd.f32 v58, v16  }
0x280: {  	v15 =	vor.u32 v14, v15;
	v17 =	vadd.f32 v22, v17;
	v62 =	vmul.f32 $4.999999890e-03, v23  }
.Ltmp6:
0x281: {  	v18 =	vadd.f32 v21, v18;
	v16 =	vmul.f32 $4.999999890e-03, v16;
	(pc) =	sbr.rel @p0 .LBB2_12-.Ltmp6, $4  }
0x282: {  	v17 =	vmul.f32 $4.999999890e-03, v17;
	[tilespmem:v59+s16+$0x0] =	vst.idx.msk $0xffff, v62  }
0x283: {  	v63 =	vmul.f32 $4.999999890e-03, v18;
	[tilespmem:v60+s16+$0x0] =	vst.idx.msk $0xffff, v16  }
0x284: {  	[tilespmem:v61+s16+$0x0] =	vst.idx.msk $0xffff, v17  }
0x285: {  	[tilespmem:v15+s16+$0x0] =	vst.idx.msk $0xffff, v63  }
0x286: {  	s0 =	smul.u32 $0x1900, s19  }
.Ltmp7:
0x287: {  	_ = 	snop;
	(pc) =	sbr.rel .LBB2_2-.Ltmp7, $4  }
0x288: {  	s0 =	sadd.s32 s0, s8  }
0x289: {  	s0 =	sshrl.u32 s0, $0x3  }
0x28a: {  	s19 =	sadd.s32 $0x1, s19;
	s0 =	sadd.s32 s3, s0  }
0x28b: {  	[tilespmem:s13], [sflag:$0x2] =	stream.linear.gather [hbm4b:s0+s2], $0xC80, $0x38;
	[tilespmem:$0x2700] =	vst v63  }
.LBB2_13:
0x28c: {  	_ =	sfence.sel $0x180000  }
0x28d: {  	[bflag:$0x0] =	sbarrier.arrive $0xFFFF  }
0x28e: {  	_ =	strace $0x90000047  }
0x28f: {  	s0 =	stileid.u32;
	[bflag:$0x2] =	sbarrier.arrive $0xFFFF  }
0x290: {  	p0 =	sne.s32 s0, $0x0;
	s0 =	rddreg [dreg:$0x2]  }
0x291: {  	s0 =	sadd.s32 @!p0 $0x100000, s0  }
0x292: {  	[sflag:s0] =	ssyncadd.tile.s32 @!p0 $0x1;
	_ =	shalt  }
.Lfunc_end2:
_tile_overlayer_lowered:
.L_overlay_start_2:
0x293: {  	(tag) =	ssettag $0x2  }
0x294: {  	s0 =	rddreg [dreg:$0x0];
	s2 =	stileid.u32  }
0x295: {  	s1 =	rddreg [dreg:$0x1];
	p0 =	sne.s32 s2, $0x0  }
0x296: {  	s3 =	rddreg [dreg:$0x2];
	[bflag:$0x3] =	sbarrier.arrive $0xFFFF;
	s2 =	simm.s32 @!p0 $0x1C03  }
0x297: {  	[timem:s3], [sflag:s2] =	dma.local @!p0 [hbm:s0], s1  }
0x298: {  	s0 =	simm.s32 @!p0 $0x3  }
0x299: {  	_ =	swait.ge @!p0 [sflag:s0], s1  }
0x29a: {  	s1 =	ssub.s32 @!p0 $0x0, s1;
	[sflag:s0] =	ssyncset.done @!p0 $0x0  }
0x29b: {  	[sflag:s0] =	ssyncadd.s32 @!p0 s1  }
0x29c: {  	[bflag:$0x3] =	sbarrier.arrive $0xFFFF  }
0x29d: {  	_ =	shalt  }

</sc_bundles>
